<compile_context>
chip_gen: v7x
topology: tpu7x:2x2x1
jax: 0.10.2.dev20260603
libtpu: 0.0.44.dev20260713+nightly
codegen_flags: <defaults>
</compile_context>

<pallas_src>
import functools

import jax
import jax.numpy as jnp
from jax import lax
from jax.experimental import pallas as pl
from jax.experimental.pallas import tpu as pltpu
from jax.experimental.pallas import tpu_sc as plsc

P = 128
NROW = 10
NPAD = 16
B = 16384
BLK = 128


def _table_kernel(e0_ref, e1_ref, w1_ref, b1_ref, w2_ref, b2_ref, t_ref):
    a0 = jnp.dot(e0_ref[...], w1_ref[0:P, :], preferred_element_type=jnp.float32)
    a1 = jnp.dot(e1_ref[...], w1_ref[P:2 * P, :], preferred_element_type=jnp.float32)
    a1p = jnp.concatenate([a1, jnp.zeros((NPAD - NROW, P), jnp.float32)], axis=0)
    h = a0[:, None, :] + a1p[None, :, :] + b1_ref[...][None, :, :]
    h = jnp.maximum(h, 0.0)
    t = jnp.sum(h.reshape(NROW * NPAD, P) * w2_ref[...], axis=1) + b2_ref[0, 0]
    t_ref[...] = t


def _build_table(emb0, emb1, W1, b1, W2, b2):
    return pl.pallas_call(
        _table_kernel,
        out_shape=jax.ShapeDtypeStruct((NROW * NPAD,), jnp.float32),
    )(emb0, emb1, W1, b1.reshape(1, P), W2.T, b2.reshape(1, 1))


def _make_sc_gather():
    info = plsc.get_sparse_core_info()
    ncores = 1
    nw = ncores * info.num_subcores
    b_per_w = B // nw
    k_per_w = b_per_w // BLK

    mesh = plsc.VectorSubcoreMesh(core_axis_name="c", subcore_axis_name="s", num_cores=ncores)

    @functools.partial(
        pl.kernel,
        mesh=mesh,
        out_type=jax.ShapeDtypeStruct((B,), jnp.float32),
        compiler_params=pltpu.CompilerParams(
            needs_layout_passes=False, use_tc_tiling_on_sc=False
        ),
        scratch_types=[
            pltpu.VMEM((k_per_w, 2, BLK), jnp.int32),
            pltpu.VMEM((NROW * NPAD,), jnp.float32),
            pltpu.VMEM((b_per_w,), jnp.float32),
            pltpu.SemaphoreType.DMA,
            pltpu.SemaphoreType.DMA,
            pltpu.SemaphoreType.DMA,
        ],
    )
    def gather_k(xb_hbm, t_hbm, out_hbm, x_v, t_v, o_v, sem_x, sem_t, sem_o):
        wid = lax.axis_index("s") * ncores + lax.axis_index("c")
        base = wid * k_per_w
        in_cps = [
            pltpu.async_copy(xb_hbm.at[base + blk], x_v.at[blk], sem_x)
            for blk in range(k_per_w)
        ]
        cp_t = pltpu.async_copy(t_hbm, t_v, sem_t)
        cp_t.wait()
        out_cps = []
        for blk in range(k_per_w):
            in_cps[blk].wait()
            for s in range(BLK // 16):
                x0 = x_v[blk, 0, pl.ds(s * 16, 16)]
                x1 = x_v[blk, 1, pl.ds(s * 16, 16)]
                vals = plsc.load_gather(t_v, [x0 * NPAD + x1])
                o_v[pl.ds(blk * BLK + s * 16, 16)] = vals
            out_cps.append(pltpu.async_copy(
                o_v.at[pl.ds(blk * BLK, BLK)],
                out_hbm.at[pl.ds(wid * b_per_w + blk * BLK, BLK)],
                sem_o,
            ))
        for cp in out_cps:
            cp.wait()

    return gather_k


def kernel(x, emb0, emb1, W1, b1, W2, b2):
    t = _build_table(emb0, emb1, W1, b1, W2, b2)
    xb = x.reshape(B // BLK, BLK, 2).transpose(0, 2, 1)
    out = _make_sc_gather()(xb, t)
    return out.reshape(B, 1)

# --- scband reference (transcript-rebuilt; emitter-appended) ---
"""Pipeline reference for scband-model-4277787427305 (READ-ONLY COPY).

The authoritative reference and input builder live on the scoring server;
editing this copy changes nothing except your own understanding.
"""

import jax, jax.numpy as jnp
import numpy as np

MAX_ = 10
P = 128
B = 16384

def setup_inputs(seed: int = 0) -> dict:
    key = jax.random.key(seed)
    ks = jax.random.split(key, 8)
    x = jax.random.randint(ks[0], (B, 2), 0, MAX_, dtype=jnp.int64 if jax.config.jax_enable_x64 else jnp.int32).astype(jnp.int32)
    emb0 = jax.random.normal(ks[1], (MAX_, P), dtype=jnp.float32)
    emb1 = jax.random.normal(ks[2], (MAX_, P), dtype=jnp.float32)
    # Linear(2p -> p), ReLU, Linear(p -> 1)
    W1 = jax.random.normal(ks[3], (2 * P, P), dtype=jnp.float32) * (1.0 / np.sqrt(2 * P))
    b1 = jnp.zeros((P,), dtype=jnp.float32)
    W2 = jax.random.normal(ks[4], (P, 1), dtype=jnp.float32) * (1.0 / np.sqrt(P))
    b2 = jnp.zeros((1,), dtype=jnp.float32)
    return {"x": x, "emb0": emb0, "emb1": emb1, "W1": W1, "b1": b1, "W2": W2, "b2": b2}

def reference(x, emb0, emb1, W1, b1, W2, b2):
    # cat([embedding[0](x[:,0]), embedding[1](x[:,1])], dim=-1)
    e0 = jnp.take(emb0, x[:, 0], axis=0)
    e1 = jnp.take(emb1, x[:, 1], axis=0)
    e = jnp.concatenate([e0, e1], axis=-1)
    h = jax.nn.relu(e @ W1 + b1)
    out = h @ W2 + b2
    return out

if __name__ == "__main__":
    import jax
    _d = setup_inputs()
    print(jax.jit(kernel)(*tuple(_d.values())))

</pallas_src>

<mosaic_0001>
#map = affine_map<(d0, d1) -> (0, 0, 0)>
#map1 = affine_map<(d0, d1) -> (0)>
module attributes {stable_mosaic.version = 14 : i64} {
  func.func @gather_k(%arg0: i32, %arg1: i32, %arg2: memref<128x2x128xi32, #tpu.memory_space<hbm>>, %arg3: memref<160xf32, #tpu.memory_space<hbm>>, %arg4: memref<16384xf32, #tpu.memory_space<hbm>>, %arg5: memref<8x2x128xi32, #tpu.memory_space<vmem>>, %arg6: memref<160xf32, #tpu.memory_space<vmem>>, %arg7: memref<1024xf32, #tpu.memory_space<vmem>>, %arg8: memref<!tpu.dma_semaphore, #tpu.memory_space<semaphore_mem>>, %arg9: memref<!tpu.dma_semaphore, #tpu.memory_space<semaphore_mem>>, %arg10: memref<!tpu.dma_semaphore, #tpu.memory_space<semaphore_mem>>) attributes {dimension_semantics = [#tpu.dimension_semantics<core_parallel>, #tpu.dimension_semantics<subcore_parallel>], iteration_bounds = array<i64: 1, 16>, scalar_prefetch = 0 : i64, scratch_operands = 6 : i64, tpu.core_type = #tpu.core_type<sc_vector_subcore>, window_params = [{transform_indices = #map}, {transform_indices = #map1}, {transform_indices = #map1}]} {
    %mul3A = arith.constant 1 : i32
    %mul3A_0 = arith.muli %arg1, %mul3A : i32
    %add3A = arith.addi %mul3A_0, %arg0 : i32
    %mul3A_1 = arith.constant 8 : i32
    %mul3A_2 = arith.muli %add3A, %mul3A_1 : i32
    %add3A_3 = arith.constant 0 : i32
    %add3A_4 = arith.addi %mul3A_2, %add3A_3 : i32
    %dma_start3A = arith.constant 0 : i32
    %dma_start3A_5 = arith.constant 0 : i32
    %dma_start3A_6 = arith.constant 0 : i32
    %dma_start3A_7 = tpu.memref_slice %arg5[%dma_start3A, %dma_start3A_5, %dma_start3A_6] : memref<8x2x128xi32, #tpu.memory_space<vmem>> -> memref<1x2x128xi32, #tpu.memory_space<vmem>>
    %dma_start3A_8 = tpu.memref_squeeze %dma_start3A_7 : memref<1x2x128xi32, #tpu.memory_space<vmem>> -> memref<2x128xi32, #tpu.memory_space<vmem>>
    %dma_start3A_9 = arith.constant 0 : i32
    %dma_start3A_10 = arith.constant 0 : i32
    %dma_start3A_11 = tpu.memref_slice %arg2[%add3A_4, %dma_start3A_9, %dma_start3A_10] : memref<128x2x128xi32, #tpu.memory_space<hbm>> -> memref<1x2x128xi32, #tpu.memory_space<hbm>>
    %dma_start3A_12 = tpu.memref_squeeze %dma_start3A_11 : memref<1x2x128xi32, #tpu.memory_space<hbm>> -> memref<2x128xi32, #tpu.memory_space<hbm>>
    %dma_start3A_13 = arith.constant 0 : i32
    %dma_start3A_14 = arith.constant 0 : i32
    %dma_start3A_15 = tpu.memref_slice %arg5[%dma_start3A, %dma_start3A_13, %dma_start3A_14] : memref<8x2x128xi32, #tpu.memory_space<vmem>> -> memref<1x2x128xi32, #tpu.memory_space<vmem>>
    %dma_start3A_16 = tpu.memref_squeeze %dma_start3A_15 : memref<1x2x128xi32, #tpu.memory_space<vmem>> -> memref<2x128xi32, #tpu.memory_space<vmem>>
    %dma_start3A_17 = arith.constant 0 : i32
    %dma_start3A_18 = arith.constant 0 : i32
    %dma_start3A_19 = tpu.memref_slice %arg2[%add3A_4, %dma_start3A_17, %dma_start3A_18] : memref<128x2x128xi32, #tpu.memory_space<hbm>> -> memref<1x2x128xi32, #tpu.memory_space<hbm>>
    %dma_start3A_20 = tpu.memref_squeeze %dma_start3A_19 : memref<1x2x128xi32, #tpu.memory_space<hbm>> -> memref<2x128xi32, #tpu.memory_space<hbm>>
    tpu.enqueue_dma source(%dma_start3A_20 : memref<2x128xi32, #tpu.memory_space<hbm>>) target(%dma_start3A_16 : memref<2x128xi32, #tpu.memory_space<vmem>>) target_semaphore(%arg8 : memref<!tpu.dma_semaphore, #tpu.memory_space<semaphore_mem>>)
    %add3A_21 = arith.constant 1 : i32
    %add3A_22 = arith.addi %mul3A_2, %add3A_21 : i32
    %dma_start3A_23 = arith.constant 1 : i32
    %dma_start3A_24 = arith.constant 0 : i32
    %dma_start3A_25 = arith.constant 0 : i32
    %dma_start3A_26 = tpu.memref_slice %arg5[%dma_start3A_23, %dma_start3A_24, %dma_start3A_25] : memref<8x2x128xi32, #tpu.memory_space<vmem>> -> memref<1x2x128xi32, #tpu.memory_space<vmem>>
    %dma_start3A_27 = tpu.memref_squeeze %dma_start3A_26 : memref<1x2x128xi32, #tpu.memory_space<vmem>> -> memref<2x128xi32, #tpu.memory_space<vmem>>
    %dma_start3A_28 = arith.constant 0 : i32
    %dma_start3A_29 = arith.constant 0 : i32
    %dma_start3A_30 = tpu.memref_slice %arg2[%add3A_22, %dma_start3A_28, %dma_start3A_29] : memref<128x2x128xi32, #tpu.memory_space<hbm>> -> memref<1x2x128xi32, #tpu.memory_space<hbm>>
    %dma_start3A_31 = tpu.memref_squeeze %dma_start3A_30 : memref<1x2x128xi32, #tpu.memory_space<hbm>> -> memref<2x128xi32, #tpu.memory_space<hbm>>
    %dma_start3A_32 = arith.constant 0 : i32
    %dma_start3A_33 = arith.constant 0 : i32
    %dma_start3A_34 = tpu.memref_slice %arg5[%dma_start3A_23, %dma_start3A_32, %dma_start3A_33] : memref<8x2x128xi32, #tpu.memory_space<vmem>> -> memref<1x2x128xi32, #tpu.memory_space<vmem>>
    %dma_start3A_35 = tpu.memref_squeeze %dma_start3A_34 : memref<1x2x128xi32, #tpu.memory_space<vmem>> -> memref<2x128xi32, #tpu.memory_space<vmem>>
    %dma_start3A_36 = arith.constant 0 : i32
    %dma_start3A_37 = arith.constant 0 : i32
    %dma_start3A_38 = tpu.memref_slice %arg2[%add3A_22, %dma_start3A_36, %dma_start3A_37] : memref<128x2x128xi32, #tpu.memory_space<hbm>> -> memref<1x2x128xi32, #tpu.memory_space<hbm>>
    %dma_start3A_39 = tpu.memref_squeeze %dma_start3A_38 : memref<1x2x128xi32, #tpu.memory_space<hbm>> -> memref<2x128xi32, #tpu.memory_space<hbm>>
    tpu.enqueue_dma source(%dma_start3A_39 : memref<2x128xi32, #tpu.memory_space<hbm>>) target(%dma_start3A_35 : memref<2x128xi32, #tpu.memory_space<vmem>>) target_semaphore(%arg8 : memref<!tpu.dma_semaphore, #tpu.memory_space<semaphore_mem>>)
    %add3A_40 = arith.constant 2 : i32
    %add3A_41 = arith.addi %mul3A_2, %add3A_40 : i32
    %dma_start3A_42 = arith.constant 2 : i32
    %dma_start3A_43 = arith.constant 0 : i32
    %dma_start3A_44 = arith.constant 0 : i32
    %dma_start3A_45 = tpu.memref_slice %arg5[%dma_start3A_42, %dma_start3A_43, %dma_start3A_44] : memref<8x2x128xi32, #tpu.memory_space<vmem>> -> memref<1x2x128xi32, #tpu.memory_space<vmem>>
    %dma_start3A_46 = tpu.memref_squeeze %dma_start3A_45 : memref<1x2x128xi32, #tpu.memory_space<vmem>> -> memref<2x128xi32, #tpu.memory_space<vmem>>
    %dma_start3A_47 = arith.constant 0 : i32
    %dma_start3A_48 = arith.constant 0 : i32
    %dma_start3A_49 = tpu.memref_slice %arg2[%add3A_41, %dma_start3A_47, %dma_start3A_48] : memref<128x2x128xi32, #tpu.memory_space<hbm>> -> memref<1x2x128xi32, #tpu.memory_space<hbm>>
    %dma_start3A_50 = tpu.memref_squeeze %dma_start3A_49 : memref<1x2x128xi32, #tpu.memory_space<hbm>> -> memref<2x128xi32, #tpu.memory_space<hbm>>
    %dma_start3A_51 = arith.constant 0 : i32
    %dma_start3A_52 = arith.constant 0 : i32
    %dma_start3A_53 = tpu.memref_slice %arg5[%dma_start3A_42, %dma_start3A_51, %dma_start3A_52] : memref<8x2x128xi32, #tpu.memory_space<vmem>> -> memref<1x2x128xi32, #tpu.memory_space<vmem>>
    %dma_start3A_54 = tpu.memref_squeeze %dma_start3A_53 : memref<1x2x128xi32, #tpu.memory_space<vmem>> -> memref<2x128xi32, #tpu.memory_space<vmem>>
    %dma_start3A_55 = arith.constant 0 : i32
    %dma_start3A_56 = arith.constant 0 : i32
    %dma_start3A_57 = tpu.memref_slice %arg2[%add3A_41, %dma_start3A_55, %dma_start3A_56] : memref<128x2x128xi32, #tpu.memory_space<hbm>> -> memref<1x2x128xi32, #tpu.memory_space<hbm>>
    %dma_start3A_58 = tpu.memref_squeeze %dma_start3A_57 : memref<1x2x128xi32, #tpu.memory_space<hbm>> -> memref<2x128xi32, #tpu.memory_space<hbm>>
    tpu.enqueue_dma source(%dma_start3A_58 : memref<2x128xi32, #tpu.memory_space<hbm>>) target(%dma_start3A_54 : memref<2x128xi32, #tpu.memory_space<vmem>>) target_semaphore(%arg8 : memref<!tpu.dma_semaphore, #tpu.memory_space<semaphore_mem>>)
    %add3A_59 = arith.constant 3 : i32
    %add3A_60 = arith.addi %mul3A_2, %add3A_59 : i32
    %dma_start3A_61 = arith.constant 3 : i32
    %dma_start3A_62 = arith.constant 0 : i32
    %dma_start3A_63 = arith.constant 0 : i32
    %dma_start3A_64 = tpu.memref_slice %arg5[%dma_start3A_61, %dma_start3A_62, %dma_start3A_63] : memref<8x2x128xi32, #tpu.memory_space<vmem>> -> memref<1x2x128xi32, #tpu.memory_space<vmem>>
    %dma_start3A_65 = tpu.memref_squeeze %dma_start3A_64 : memref<1x2x128xi32, #tpu.memory_space<vmem>> -> memref<2x128xi32, #tpu.memory_space<vmem>>
    %dma_start3A_66 = arith.constant 0 : i32
    %dma_start3A_67 = arith.constant 0 : i32
    %dma_start3A_68 = tpu.memref_slice %arg2[%add3A_60, %dma_start3A_66, %dma_start3A_67] : memref<128x2x128xi32, #tpu.memory_space<hbm>> -> memref<1x2x128xi32, #tpu.memory_space<hbm>>
    %dma_start3A_69 = tpu.memref_squeeze %dma_start3A_68 : memref<1x2x128xi32, #tpu.memory_space<hbm>> -> memref<2x128xi32, #tpu.memory_space<hbm>>
    %dma_start3A_70 = arith.constant 0 : i32
    %dma_start3A_71 = arith.constant 0 : i32
    %dma_start3A_72 = tpu.memref_slice %arg5[%dma_start3A_61, %dma_start3A_70, %dma_start3A_71] : memref<8x2x128xi32, #tpu.memory_space<vmem>> -> memref<1x2x128xi32, #tpu.memory_space<vmem>>
    %dma_start3A_73 = tpu.memref_squeeze %dma_start3A_72 : memref<1x2x128xi32, #tpu.memory_space<vmem>> -> memref<2x128xi32, #tpu.memory_space<vmem>>
    %dma_start3A_74 = arith.constant 0 : i32
    %dma_start3A_75 = arith.constant 0 : i32
    %dma_start3A_76 = tpu.memref_slice %arg2[%add3A_60, %dma_start3A_74, %dma_start3A_75] : memref<128x2x128xi32, #tpu.memory_space<hbm>> -> memref<1x2x128xi32, #tpu.memory_space<hbm>>
    %dma_start3A_77 = tpu.memref_squeeze %dma_start3A_76 : memref<1x2x128xi32, #tpu.memory_space<hbm>> -> memref<2x128xi32, #tpu.memory_space<hbm>>
    tpu.enqueue_dma source(%dma_start3A_77 : memref<2x128xi32, #tpu.memory_space<hbm>>) target(%dma_start3A_73 : memref<2x128xi32, #tpu.memory_space<vmem>>) target_semaphore(%arg8 : memref<!tpu.dma_semaphore, #tpu.memory_space<semaphore_mem>>)
    %add3A_78 = arith.constant 4 : i32
    %add3A_79 = arith.addi %mul3A_2, %add3A_78 : i32
    %dma_start3A_80 = arith.constant 4 : i32
    %dma_start3A_81 = arith.constant 0 : i32
    %dma_start3A_82 = arith.constant 0 : i32
    %dma_start3A_83 = tpu.memref_slice %arg5[%dma_start3A_80, %dma_start3A_81, %dma_start3A_82] : memref<8x2x128xi32, #tpu.memory_space<vmem>> -> memref<1x2x128xi32, #tpu.memory_space<vmem>>
    %dma_start3A_84 = tpu.memref_squeeze %dma_start3A_83 : memref<1x2x128xi32, #tpu.memory_space<vmem>> -> memref<2x128xi32, #tpu.memory_space<vmem>>
    %dma_start3A_85 = arith.constant 0 : i32
    %dma_start3A_86 = arith.constant 0 : i32
    %dma_start3A_87 = tpu.memref_slice %arg2[%add3A_79, %dma_start3A_85, %dma_start3A_86] : memref<128x2x128xi32, #tpu.memory_space<hbm>> -> memref<1x2x128xi32, #tpu.memory_space<hbm>>
    %dma_start3A_88 = tpu.memref_squeeze %dma_start3A_87 : memref<1x2x128xi32, #tpu.memory_space<hbm>> -> memref<2x128xi32, #tpu.memory_space<hbm>>
    %dma_start3A_89 = arith.constant 0 : i32
    %dma_start3A_90 = arith.constant 0 : i32
    %dma_start3A_91 = tpu.memref_slice %arg5[%dma_start3A_80, %dma_start3A_89, %dma_start3A_90] : memref<8x2x128xi32, #tpu.memory_space<vmem>> -> memref<1x2x128xi32, #tpu.memory_space<vmem>>
    %dma_start3A_92 = tpu.memref_squeeze %dma_start3A_91 : memref<1x2x128xi32, #tpu.memory_space<vmem>> -> memref<2x128xi32, #tpu.memory_space<vmem>>
    %dma_start3A_93 = arith.constant 0 : i32
    %dma_start3A_94 = arith.constant 0 : i32
    %dma_start3A_95 = tpu.memref_slice %arg2[%add3A_79, %dma_start3A_93, %dma_start3A_94] : memref<128x2x128xi32, #tpu.memory_space<hbm>> -> memref<1x2x128xi32, #tpu.memory_space<hbm>>
    %dma_start3A_96 = tpu.memref_squeeze %dma_start3A_95 : memref<1x2x128xi32, #tpu.memory_space<hbm>> -> memref<2x128xi32, #tpu.memory_space<hbm>>
    tpu.enqueue_dma source(%dma_start3A_96 : memref<2x128xi32, #tpu.memory_space<hbm>>) target(%dma_start3A_92 : memref<2x128xi32, #tpu.memory_space<vmem>>) target_semaphore(%arg8 : memref<!tpu.dma_semaphore, #tpu.memory_space<semaphore_mem>>)
    %add3A_97 = arith.constant 5 : i32
    %add3A_98 = arith.addi %mul3A_2, %add3A_97 : i32
    %dma_start3A_99 = arith.constant 5 : i32
    %dma_start3A_100 = arith.constant 0 : i32
    %dma_start3A_101 = arith.constant 0 : i32
    %dma_start3A_102 = tpu.memref_slice %arg5[%dma_start3A_99, %dma_start3A_100, %dma_start3A_101] : memref<8x2x128xi32, #tpu.memory_space<vmem>> -> memref<1x2x128xi32, #tpu.memory_space<vmem>>
    %dma_start3A_103 = tpu.memref_squeeze %dma_start3A_102 : memref<1x2x128xi32, #tpu.memory_space<vmem>> -> memref<2x128xi32, #tpu.memory_space<vmem>>
    %dma_start3A_104 = arith.constant 0 : i32
    %dma_start3A_105 = arith.constant 0 : i32
    %dma_start3A_106 = tpu.memref_slice %arg2[%add3A_98, %dma_start3A_104, %dma_start3A_105] : memref<128x2x128xi32, #tpu.memory_space<hbm>> -> memref<1x2x128xi32, #tpu.memory_space<hbm>>
    %dma_start3A_107 = tpu.memref_squeeze %dma_start3A_106 : memref<1x2x128xi32, #tpu.memory_space<hbm>> -> memref<2x128xi32, #tpu.memory_space<hbm>>
    %dma_start3A_108 = arith.constant 0 : i32
    %dma_start3A_109 = arith.constant 0 : i32
    %dma_start3A_110 = tpu.memref_slice %arg5[%dma_start3A_99, %dma_start3A_108, %dma_start3A_109] : memref<8x2x128xi32, #tpu.memory_space<vmem>> -> memref<1x2x128xi32, #tpu.memory_space<vmem>>
    %dma_start3A_111 = tpu.memref_squeeze %dma_start3A_110 : memref<1x2x128xi32, #tpu.memory_space<vmem>> -> memref<2x128xi32, #tpu.memory_space<vmem>>
    %dma_start3A_112 = arith.constant 0 : i32
    %dma_start3A_113 = arith.constant 0 : i32
    %dma_start3A_114 = tpu.memref_slice %arg2[%add3A_98, %dma_start3A_112, %dma_start3A_113] : memref<128x2x128xi32, #tpu.memory_space<hbm>> -> memref<1x2x128xi32, #tpu.memory_space<hbm>>
    %dma_start3A_115 = tpu.memref_squeeze %dma_start3A_114 : memref<1x2x128xi32, #tpu.memory_space<hbm>> -> memref<2x128xi32, #tpu.memory_space<hbm>>
    tpu.enqueue_dma source(%dma_start3A_115 : memref<2x128xi32, #tpu.memory_space<hbm>>) target(%dma_start3A_111 : memref<2x128xi32, #tpu.memory_space<vmem>>) target_semaphore(%arg8 : memref<!tpu.dma_semaphore, #tpu.memory_space<semaphore_mem>>)
    %add3A_116 = arith.constant 6 : i32
    %add3A_117 = arith.addi %mul3A_2, %add3A_116 : i32
    %dma_start3A_118 = arith.constant 6 : i32
    %dma_start3A_119 = arith.constant 0 : i32
    %dma_start3A_120 = arith.constant 0 : i32
    %dma_start3A_121 = tpu.memref_slice %arg5[%dma_start3A_118, %dma_start3A_119, %dma_start3A_120] : memref<8x2x128xi32, #tpu.memory_space<vmem>> -> memref<1x2x128xi32, #tpu.memory_space<vmem>>
    %dma_start3A_122 = tpu.memref_squeeze %dma_start3A_121 : memref<1x2x128xi32, #tpu.memory_space<vmem>> -> memref<2x128xi32, #tpu.memory_space<vmem>>
    %dma_start3A_123 = arith.constant 0 : i32
    %dma_start3A_124 = arith.constant 0 : i32
    %dma_start3A_125 = tpu.memref_slice %arg2[%add3A_117, %dma_start3A_123, %dma_start3A_124] : memref<128x2x128xi32, #tpu.memory_space<hbm>> -> memref<1x2x128xi32, #tpu.memory_space<hbm>>
    %dma_start3A_126 = tpu.memref_squeeze %dma_start3A_125 : memref<1x2x128xi32, #tpu.memory_space<hbm>> -> memref<2x128xi32, #tpu.memory_space<hbm>>
    %dma_start3A_127 = arith.constant 0 : i32
    %dma_start3A_128 = arith.constant 0 : i32
    %dma_start3A_129 = tpu.memref_slice %arg5[%dma_start3A_118, %dma_start3A_127, %dma_start3A_128] : memref<8x2x128xi32, #tpu.memory_space<vmem>> -> memref<1x2x128xi32, #tpu.memory_space<vmem>>
    %dma_start3A_130 = tpu.memref_squeeze %dma_start3A_129 : memref<1x2x128xi32, #tpu.memory_space<vmem>> -> memref<2x128xi32, #tpu.memory_space<vmem>>
    %dma_start3A_131 = arith.constant 0 : i32
    %dma_start3A_132 = arith.constant 0 : i32
    %dma_start3A_133 = tpu.memref_slice %arg2[%add3A_117, %dma_start3A_131, %dma_start3A_132] : memref<128x2x128xi32, #tpu.memory_space<hbm>> -> memref<1x2x128xi32, #tpu.memory_space<hbm>>
    %dma_start3A_134 = tpu.memref_squeeze %dma_start3A_133 : memref<1x2x128xi32, #tpu.memory_space<hbm>> -> memref<2x128xi32, #tpu.memory_space<hbm>>
    tpu.enqueue_dma source(%dma_start3A_134 : memref<2x128xi32, #tpu.memory_space<hbm>>) target(%dma_start3A_130 : memref<2x128xi32, #tpu.memory_space<vmem>>) target_semaphore(%arg8 : memref<!tpu.dma_semaphore, #tpu.memory_space<semaphore_mem>>)
    %add3A_135 = arith.constant 7 : i32
    %add3A_136 = arith.addi %mul3A_2, %add3A_135 : i32
    %dma_start3A_137 = arith.constant 7 : i32
    %dma_start3A_138 = arith.constant 0 : i32
    %dma_start3A_139 = arith.constant 0 : i32
    %dma_start3A_140 = tpu.memref_slice %arg5[%dma_start3A_137, %dma_start3A_138, %dma_start3A_139] : memref<8x2x128xi32, #tpu.memory_space<vmem>> -> memref<1x2x128xi32, #tpu.memory_space<vmem>>
    %dma_start3A_141 = tpu.memref_squeeze %dma_start3A_140 : memref<1x2x128xi32, #tpu.memory_space<vmem>> -> memref<2x128xi32, #tpu.memory_space<vmem>>
    %dma_start3A_142 = arith.constant 0 : i32
    %dma_start3A_143 = arith.constant 0 : i32
    %dma_start3A_144 = tpu.memref_slice %arg2[%add3A_136, %dma_start3A_142, %dma_start3A_143] : memref<128x2x128xi32, #tpu.memory_space<hbm>> -> memref<1x2x128xi32, #tpu.memory_space<hbm>>
    %dma_start3A_145 = tpu.memref_squeeze %dma_start3A_144 : memref<1x2x128xi32, #tpu.memory_space<hbm>> -> memref<2x128xi32, #tpu.memory_space<hbm>>
    %dma_start3A_146 = arith.constant 0 : i32
    %dma_start3A_147 = arith.constant 0 : i32
    %dma_start3A_148 = tpu.memref_slice %arg5[%dma_start3A_137, %dma_start3A_146, %dma_start3A_147] : memref<8x2x128xi32, #tpu.memory_space<vmem>> -> memref<1x2x128xi32, #tpu.memory_space<vmem>>
    %dma_start3A_149 = tpu.memref_squeeze %dma_start3A_148 : memref<1x2x128xi32, #tpu.memory_space<vmem>> -> memref<2x128xi32, #tpu.memory_space<vmem>>
    %dma_start3A_150 = arith.constant 0 : i32
    %dma_start3A_151 = arith.constant 0 : i32
    %dma_start3A_152 = tpu.memref_slice %arg2[%add3A_136, %dma_start3A_150, %dma_start3A_151] : memref<128x2x128xi32, #tpu.memory_space<hbm>> -> memref<1x2x128xi32, #tpu.memory_space<hbm>>
    %dma_start3A_153 = tpu.memref_squeeze %dma_start3A_152 : memref<1x2x128xi32, #tpu.memory_space<hbm>> -> memref<2x128xi32, #tpu.memory_space<hbm>>
    tpu.enqueue_dma source(%dma_start3A_153 : memref<2x128xi32, #tpu.memory_space<hbm>>) target(%dma_start3A_149 : memref<2x128xi32, #tpu.memory_space<vmem>>) target_semaphore(%arg8 : memref<!tpu.dma_semaphore, #tpu.memory_space<semaphore_mem>>)
    tpu.enqueue_dma source(%arg3 : memref<160xf32, #tpu.memory_space<hbm>>) target(%arg6 : memref<160xf32, #tpu.memory_space<vmem>>) target_semaphore(%arg9 : memref<!tpu.dma_semaphore, #tpu.memory_space<semaphore_mem>>)
    tpu.wait_dma2 semaphore(%arg9 : memref<!tpu.dma_semaphore, #tpu.memory_space<semaphore_mem>>) src(%arg3 : memref<160xf32, #tpu.memory_space<hbm>>) dst(%arg6 : memref<160xf32, #tpu.memory_space<vmem>>)
    %dma_wait3A = arith.constant 0 : i32
    %dma_wait3A_154 = arith.constant 0 : i32
    %dma_wait3A_155 = arith.constant 0 : i32
    %dma_wait3A_156 = tpu.memref_slice %arg5[%dma_wait3A, %dma_wait3A_154, %dma_wait3A_155] : memref<8x2x128xi32, #tpu.memory_space<vmem>> -> memref<1x2x128xi32, #tpu.memory_space<vmem>>
    %dma_wait3A_157 = tpu.memref_squeeze %dma_wait3A_156 : memref<1x2x128xi32, #tpu.memory_space<vmem>> -> memref<2x128xi32, #tpu.memory_space<vmem>>
    %dma_wait3A_158 = arith.constant 0 : i32
    %dma_wait3A_159 = arith.constant 0 : i32
    %dma_wait3A_160 = tpu.memref_slice %arg2[%add3A_4, %dma_wait3A_158, %dma_wait3A_159] : memref<128x2x128xi32, #tpu.memory_space<hbm>> -> memref<1x2x128xi32, #tpu.memory_space<hbm>>
    %dma_wait3A_161 = tpu.memref_squeeze %dma_wait3A_160 : memref<1x2x128xi32, #tpu.memory_space<hbm>> -> memref<2x128xi32, #tpu.memory_space<hbm>>
    %dma_wait3A_162 = arith.constant 0 : i32
    %dma_wait3A_163 = arith.constant 0 : i32
    %dma_wait3A_164 = tpu.memref_slice %arg5[%dma_wait3A, %dma_wait3A_162, %dma_wait3A_163] : memref<8x2x128xi32, #tpu.memory_space<vmem>> -> memref<1x2x128xi32, #tpu.memory_space<vmem>>
    %dma_wait3A_165 = tpu.memref_squeeze %dma_wait3A_164 : memref<1x2x128xi32, #tpu.memory_space<vmem>> -> memref<2x128xi32, #tpu.memory_space<vmem>>
    %dma_wait3A_166 = arith.constant 0 : i32
    %dma_wait3A_167 = arith.constant 0 : i32
    %dma_wait3A_168 = tpu.memref_slice %arg2[%add3A_4, %dma_wait3A_166, %dma_wait3A_167] : memref<128x2x128xi32, #tpu.memory_space<hbm>> -> memref<1x2x128xi32, #tpu.memory_space<hbm>>
    %dma_wait3A_169 = tpu.memref_squeeze %dma_wait3A_168 : memref<1x2x128xi32, #tpu.memory_space<hbm>> -> memref<2x128xi32, #tpu.memory_space<hbm>>
    tpu.wait_dma2 semaphore(%arg8 : memref<!tpu.dma_semaphore, #tpu.memory_space<semaphore_mem>>) src(%dma_wait3A_169 : memref<2x128xi32, #tpu.memory_space<hbm>>) dst(%dma_wait3A_165 : memref<2x128xi32, #tpu.memory_space<vmem>>)
    %get3A = arith.constant 0 : i32
    %get3A_170 = arith.constant 0 : i32
    %get3A_171 = arith.index_cast %get3A : i32 to index
    %get3A_172 = arith.index_cast %get3A_170 : i32 to index
    %get3A_173 = arith.constant 0 : index
    %get3A_174 = tpu.vector_load %arg5[%get3A_171, %get3A_172, %get3A_173] {strides = array<i32>} : memref<8x2x128xi32, #tpu.memory_space<vmem>>, vector<16xi32>,
    %get3A_175 = arith.constant 0 : i32
    %get3A_176 = arith.constant 1 : i32
    %get3A_177 = arith.index_cast %get3A_175 : i32 to index
    %get3A_178 = arith.index_cast %get3A_176 : i32 to index
    %get3A_179 = arith.constant 0 : index
    %get3A_180 = tpu.vector_load %arg5[%get3A_177, %get3A_178, %get3A_179] {strides = array<i32>} : memref<8x2x128xi32, #tpu.memory_space<vmem>>, vector<16xi32>,
    %mul3A_181 = arith.constant 16 : i32
    %mul3A_182 = vector.broadcast %mul3A_181 : i32 to vector<16xi32>
    %mul3A_183 = arith.muli %get3A_174, %mul3A_182 : vector<16xi32>
    %add3A_184 = arith.addi %mul3A_183, %get3A_180 : vector<16xi32>
    %gather3A = tpu.vector_load_idx %arg6[%add3A_184] : memref<160xf32, #tpu.memory_space<vmem>>[vector<16xi32>], vector<16xf32>,
    %swap3A = arith.constant 0 : index
    %swap3A_185 = tpu.vector_load %arg7[%swap3A] {strides = array<i32>} : memref<1024xf32, #tpu.memory_space<vmem>>, vector<16xf32>,
    tpu.vector_store %arg7[%swap3A], %gather3A {strides = array<i32>} : memref<1024xf32, #tpu.memory_space<vmem>>, vector<16xf32>,
    %get3A_186 = arith.constant 0 : i32
    %get3A_187 = arith.constant 0 : i32
    %get3A_188 = arith.index_cast %get3A_186 : i32 to index
    %get3A_189 = arith.index_cast %get3A_187 : i32 to index
    %get3A_190 = arith.constant 16 : index
    %get3A_191 = tpu.vector_load %arg5[%get3A_188, %get3A_189, %get3A_190] {strides = array<i32>} : memref<8x2x128xi32, #tpu.memory_space<vmem>>, vector<16xi32>,
    %get3A_192 = arith.constant 0 : i32
    %get3A_193 = arith.constant 1 : i32
    %get3A_194 = arith.index_cast %get3A_192 : i32 to index
    %get3A_195 = arith.index_cast %get3A_193 : i32 to index
    %get3A_196 = arith.constant 16 : index
    %get3A_197 = tpu.vector_load %arg5[%get3A_194, %get3A_195, %get3A_196] {strides = array<i32>} : memref<8x2x128xi32, #tpu.memory_space<vmem>>, vector<16xi32>,
    %mul3A_198 = arith.constant 16 : i32
    %mul3A_199 = vector.broadcast %mul3A_198 : i32 to vector<16xi32>
    %mul3A_200 = arith.muli %get3A_191, %mul3A_199 : vector<16xi32>
    %add3A_201 = arith.addi %mul3A_200, %get3A_197 : vector<16xi32>
    %gather3A_202 = tpu.vector_load_idx %arg6[%add3A_201] : memref<160xf32, #tpu.memory_space<vmem>>[vector<16xi32>], vector<16xf32>,
    %swap3A_203 = arith.constant 16 : index
    %swap3A_204 = tpu.vector_load %arg7[%swap3A_203] {strides = array<i32>} : memref<1024xf32, #tpu.memory_space<vmem>>, vector<16xf32>,
    tpu.vector_store %arg7[%swap3A_203], %gather3A_202 {strides = array<i32>} : memref<1024xf32, #tpu.memory_space<vmem>>, vector<16xf32>,
    %get3A_205 = arith.constant 0 : i32
    %get3A_206 = arith.constant 0 : i32
    %get3A_207 = arith.index_cast %get3A_205 : i32 to index
    %get3A_208 = arith.index_cast %get3A_206 : i32 to index
    %get3A_209 = arith.constant 32 : index
    %get3A_210 = tpu.vector_load %arg5[%get3A_207, %get3A_208, %get3A_209] {strides = array<i32>} : memref<8x2x128xi32, #tpu.memory_space<vmem>>, vector<16xi32>,
    %get3A_211 = arith.constant 0 : i32
    %get3A_212 = arith.constant 1 : i32
    %get3A_213 = arith.index_cast %get3A_211 : i32 to index
    %get3A_214 = arith.index_cast %get3A_212 : i32 to index
    %get3A_215 = arith.constant 32 : index
    %get3A_216 = tpu.vector_load %arg5[%get3A_213, %get3A_214, %get3A_215] {strides = array<i32>} : memref<8x2x128xi32, #tpu.memory_space<vmem>>, vector<16xi32>,
    %mul3A_217 = arith.constant 16 : i32
    %mul3A_218 = vector.broadcast %mul3A_217 : i32 to vector<16xi32>
    %mul3A_219 = arith.muli %get3A_210, %mul3A_218 : vector<16xi32>
    %add3A_220 = arith.addi %mul3A_219, %get3A_216 : vector<16xi32>
    %gather3A_221 = tpu.vector_load_idx %arg6[%add3A_220] : memref<160xf32, #tpu.memory_space<vmem>>[vector<16xi32>], vector<16xf32>,
    %swap3A_222 = arith.constant 32 : index
    %swap3A_223 = tpu.vector_load %arg7[%swap3A_222] {strides = array<i32>} : memref<1024xf32, #tpu.memory_space<vmem>>, vector<16xf32>,
    tpu.vector_store %arg7[%swap3A_222], %gather3A_221 {strides = array<i32>} : memref<1024xf32, #tpu.memory_space<vmem>>, vector<16xf32>,
    %get3A_224 = arith.constant 0 : i32
    %get3A_225 = arith.constant 0 : i32
    %get3A_226 = arith.index_cast %get3A_224 : i32 to index
    %get3A_227 = arith.index_cast %get3A_225 : i32 to index
    %get3A_228 = arith.constant 48 : index
    %get3A_229 = tpu.vector_load %arg5[%get3A_226, %get3A_227, %get3A_228] {strides = array<i32>} : memref<8x2x128xi32, #tpu.memory_space<vmem>>, vector<16xi32>,
    %get3A_230 = arith.constant 0 : i32
    %get3A_231 = arith.constant 1 : i32
    %get3A_232 = arith.index_cast %get3A_230 : i32 to index
    %get3A_233 = arith.index_cast %get3A_231 : i32 to index
    %get3A_234 = arith.constant 48 : index
    %get3A_235 = tpu.vector_load %arg5[%get3A_232, %get3A_233, %get3A_234] {strides = array<i32>} : memref<8x2x128xi32, #tpu.memory_space<vmem>>, vector<16xi32>,
    %mul3A_236 = arith.constant 16 : i32
    %mul3A_237 = vector.broadcast %mul3A_236 : i32 to vector<16xi32>
    %mul3A_238 = arith.muli %get3A_229, %mul3A_237 : vector<16xi32>
    %add3A_239 = arith.addi %mul3A_238, %get3A_235 : vector<16xi32>
    %gather3A_240 = tpu.vector_load_idx %arg6[%add3A_239] : memref<160xf32, #tpu.memory_space<vmem>>[vector<16xi32>], vector<16xf32>,
    %swap3A_241 = arith.constant 48 : index
    %swap3A_242 = tpu.vector_load %arg7[%swap3A_241] {strides = array<i32>} : memref<1024xf32, #tpu.memory_space<vmem>>, vector<16xf32>,
    tpu.vector_store %arg7[%swap3A_241], %gather3A_240 {strides = array<i32>} : memref<1024xf32, #tpu.memory_space<vmem>>, vector<16xf32>,
    %get3A_243 = arith.constant 0 : i32
    %get3A_244 = arith.constant 0 : i32
    %get3A_245 = arith.index_cast %get3A_243 : i32 to index
    %get3A_246 = arith.index_cast %get3A_244 : i32 to index
    %get3A_247 = arith.constant 64 : index
    %get3A_248 = tpu.vector_load %arg5[%get3A_245, %get3A_246, %get3A_247] {strides = array<i32>} : memref<8x2x128xi32, #tpu.memory_space<vmem>>, vector<16xi32>,
    %get3A_249 = arith.constant 0 : i32
    %get3A_250 = arith.constant 1 : i32
    %get3A_251 = arith.index_cast %get3A_249 : i32 to index
    %get3A_252 = arith.index_cast %get3A_250 : i32 to index
    %get3A_253 = arith.constant 64 : index
    %get3A_254 = tpu.vector_load %arg5[%get3A_251, %get3A_252, %get3A_253] {strides = array<i32>} : memref<8x2x128xi32, #tpu.memory_space<vmem>>, vector<16xi32>,
    %mul3A_255 = arith.constant 16 : i32
    %mul3A_256 = vector.broadcast %mul3A_255 : i32 to vector<16xi32>
    %mul3A_257 = arith.muli %get3A_248, %mul3A_256 : vector<16xi32>
    %add3A_258 = arith.addi %mul3A_257, %get3A_254 : vector<16xi32>
    %gather3A_259 = tpu.vector_load_idx %arg6[%add3A_258] : memref<160xf32, #tpu.memory_space<vmem>>[vector<16xi32>], vector<16xf32>,
    %swap3A_260 = arith.constant 64 : index
    %swap3A_261 = tpu.vector_load %arg7[%swap3A_260] {strides = array<i32>} : memref<1024xf32, #tpu.memory_space<vmem>>, vector<16xf32>,
    tpu.vector_store %arg7[%swap3A_260], %gather3A_259 {strides = array<i32>} : memref<1024xf32, #tpu.memory_space<vmem>>, vector<16xf32>,
    %get3A_262 = arith.constant 0 : i32
    %get3A_263 = arith.constant 0 : i32
    %get3A_264 = arith.index_cast %get3A_262 : i32 to index
    %get3A_265 = arith.index_cast %get3A_263 : i32 to index
    %get3A_266 = arith.constant 80 : index
    %get3A_267 = tpu.vector_load %arg5[%get3A_264, %get3A_265, %get3A_266] {strides = array<i32>} : memref<8x2x128xi32, #tpu.memory_space<vmem>>, vector<16xi32>,
    %get3A_268 = arith.constant 0 : i32
    %get3A_269 = arith.constant 1 : i32
    %get3A_270 = arith.index_cast %get3A_268 : i32 to index
    %get3A_271 = arith.index_cast %get3A_269 : i32 to index
    %get3A_272 = arith.constant 80 : index
    %get3A_273 = tpu.vector_load %arg5[%get3A_270, %get3A_271, %get3A_272] {strides = array<i32>} : memref<8x2x128xi32, #tpu.memory_space<vmem>>, vector<16xi32>,
    %mul3A_274 = arith.constant 16 : i32
    %mul3A_275 = vector.broadcast %mul3A_274 : i32 to vector<16xi32>
    %mul3A_276 = arith.muli %get3A_267, %mul3A_275 : vector<16xi32>
    %add3A_277 = arith.addi %mul3A_276, %get3A_273 : vector<16xi32>
    %gather3A_278 = tpu.vector_load_idx %arg6[%add3A_277] : memref<160xf32, #tpu.memory_space<vmem>>[vector<16xi32>], vector<16xf32>,
    %swap3A_279 = arith.constant 80 : index
    %swap3A_280 = tpu.vector_load %arg7[%swap3A_279] {strides = array<i32>} : memref<1024xf32, #tpu.memory_space<vmem>>, vector<16xf32>,
    tpu.vector_store %arg7[%swap3A_279], %gather3A_278 {strides = array<i32>} : memref<1024xf32, #tpu.memory_space<vmem>>, vector<16xf32>,
    %get3A_281 = arith.constant 0 : i32
    %get3A_282 = arith.constant 0 : i32
    %get3A_283 = arith.index_cast %get3A_281 : i32 to index
    %get3A_284 = arith.index_cast %get3A_282 : i32 to index
    %get3A_285 = arith.constant 96 : index
    %get3A_286 = tpu.vector_load %arg5[%get3A_283, %get3A_284, %get3A_285] {strides = array<i32>} : memref<8x2x128xi32, #tpu.memory_space<vmem>>, vector<16xi32>,
    %get3A_287 = arith.constant 0 : i32
    %get3A_288 = arith.constant 1 : i32
    %get3A_289 = arith.index_cast %get3A_287 : i32 to index
    %get3A_290 = arith.index_cast %get3A_288 : i32 to index
    %get3A_291 = arith.constant 96 : index
    %get3A_292 = tpu.vector_load %arg5[%get3A_289, %get3A_290, %get3A_291] {strides = array<i32>} : memref<8x2x128xi32, #tpu.memory_space<vmem>>, vector<16xi32>,
    %mul3A_293 = arith.constant 16 : i32
    %mul3A_294 = vector.broadcast %mul3A_293 : i32 to vector<16xi32>
    %mul3A_295 = arith.muli %get3A_286, %mul3A_294 : vector<16xi32>
    %add3A_296 = arith.addi %mul3A_295, %get3A_292 : vector<16xi32>
    %gather3A_297 = tpu.vector_load_idx %arg6[%add3A_296] : memref<160xf32, #tpu.memory_space<vmem>>[vector<16xi32>], vector<16xf32>,
    %swap3A_298 = arith.constant 96 : index
    %swap3A_299 = tpu.vector_load %arg7[%swap3A_298] {strides = array<i32>} : memref<1024xf32, #tpu.memory_space<vmem>>, vector<16xf32>,
    tpu.vector_store %arg7[%swap3A_298], %gather3A_297 {strides = array<i32>} : memref<1024xf32, #tpu.memory_space<vmem>>, vector<16xf32>,
    %get3A_300 = arith.constant 0 : i32
    %get3A_301 = arith.constant 0 : i32
    %get3A_302 = arith.index_cast %get3A_300 : i32 to index
    %get3A_303 = arith.index_cast %get3A_301 : i32 to index
    %get3A_304 = arith.constant 112 : index
    %get3A_305 = tpu.vector_load %arg5[%get3A_302, %get3A_303, %get3A_304] {strides = array<i32>} : memref<8x2x128xi32, #tpu.memory_space<vmem>>, vector<16xi32>,
    %get3A_306 = arith.constant 0 : i32
    %get3A_307 = arith.constant 1 : i32
    %get3A_308 = arith.index_cast %get3A_306 : i32 to index
    %get3A_309 = arith.index_cast %get3A_307 : i32 to index
    %get3A_310 = arith.constant 112 : index
    %get3A_311 = tpu.vector_load %arg5[%get3A_308, %get3A_309, %get3A_310] {strides = array<i32>} : memref<8x2x128xi32, #tpu.memory_space<vmem>>, vector<16xi32>,
    %mul3A_312 = arith.constant 16 : i32
    %mul3A_313 = vector.broadcast %mul3A_312 : i32 to vector<16xi32>
    %mul3A_314 = arith.muli %get3A_305, %mul3A_313 : vector<16xi32>
    %add3A_315 = arith.addi %mul3A_314, %get3A_311 : vector<16xi32>
    %gather3A_316 = tpu.vector_load_idx %arg6[%add3A_315] : memref<160xf32, #tpu.memory_space<vmem>>[vector<16xi32>], vector<16xf32>,
    %swap3A_317 = arith.constant 112 : index
    %swap3A_318 = tpu.vector_load %arg7[%swap3A_317] {strides = array<i32>} : memref<1024xf32, #tpu.memory_space<vmem>>, vector<16xf32>,
    tpu.vector_store %arg7[%swap3A_317], %gather3A_316 {strides = array<i32>} : memref<1024xf32, #tpu.memory_space<vmem>>, vector<16xf32>,
    %mul3A_319 = arith.constant 1024 : i32
    %mul3A_320 = arith.muli %add3A, %mul3A_319 : i32
    %add3A_321 = arith.constant 0 : i32
    %add3A_322 = arith.addi %mul3A_320, %add3A_321 : i32
    %dma_start3A_323 = arith.constant 0 : i32
    %dma_start3A_324 = tpu.memref_slice %arg7[%dma_start3A_323] : memref<1024xf32, #tpu.memory_space<vmem>> -> memref<128xf32, #tpu.memory_space<vmem>>
    %dma_start3A_325 = tpu.memref_slice %arg4[%add3A_322] : memref<16384xf32, #tpu.memory_space<hbm>> -> memref<128xf32, #tpu.memory_space<hbm>>
    %dma_start3A_326 = tpu.memref_slice %arg4[%add3A_322] : memref<16384xf32, #tpu.memory_space<hbm>> -> memref<128xf32, #tpu.memory_space<hbm>>
    %dma_start3A_327 = arith.constant 0 : i32
    %dma_start3A_328 = tpu.memref_slice %arg7[%dma_start3A_327] : memref<1024xf32, #tpu.memory_space<vmem>> -> memref<128xf32, #tpu.memory_space<vmem>>
    tpu.enqueue_dma source(%dma_start3A_328 : memref<128xf32, #tpu.memory_space<vmem>>) target(%dma_start3A_326 : memref<128xf32, #tpu.memory_space<hbm>>) target_semaphore(%arg10 : memref<!tpu.dma_semaphore, #tpu.memory_space<semaphore_mem>>)
    %dma_wait3A_329 = arith.constant 1 : i32
    %dma_wait3A_330 = arith.constant 0 : i32
    %dma_wait3A_331 = arith.constant 0 : i32
    %dma_wait3A_332 = tpu.memref_slice %arg5[%dma_wait3A_329, %dma_wait3A_330, %dma_wait3A_331] : memref<8x2x128xi32, #tpu.memory_space<vmem>> -> memref<1x2x128xi32, #tpu.memory_space<vmem>>
    %dma_wait3A_333 = tpu.memref_squeeze %dma_wait3A_332 : memref<1x2x128xi32, #tpu.memory_space<vmem>> -> memref<2x128xi32, #tpu.memory_space<vmem>>
    %dma_wait3A_334 = arith.constant 0 : i32
    %dma_wait3A_335 = arith.constant 0 : i32
    %dma_wait3A_336 = tpu.memref_slice %arg2[%add3A_22, %dma_wait3A_334, %dma_wait3A_335] : memref<128x2x128xi32, #tpu.memory_space<hbm>> -> memref<1x2x128xi32, #tpu.memory_space<hbm>>
    %dma_wait3A_337 = tpu.memref_squeeze %dma_wait3A_336 : memref<1x2x128xi32, #tpu.memory_space<hbm>> -> memref<2x128xi32, #tpu.memory_space<hbm>>
    %dma_wait3A_338 = arith.constant 0 : i32
    %dma_wait3A_339 = arith.constant 0 : i32
    %dma_wait3A_340 = tpu.memref_slice %arg5[%dma_wait3A_329, %dma_wait3A_338, %dma_wait3A_339] : memref<8x2x128xi32, #tpu.memory_space<vmem>> -> memref<1x2x128xi32, #tpu.memory_space<vmem>>
    %dma_wait3A_341 = tpu.memref_squeeze %dma_wait3A_340 : memref<1x2x128xi32, #tpu.memory_space<vmem>> -> memref<2x128xi32, #tpu.memory_space<vmem>>
    %dma_wait3A_342 = arith.constant 0 : i32
    %dma_wait3A_343 = arith.constant 0 : i32
    %dma_wait3A_344 = tpu.memref_slice %arg2[%add3A_22, %dma_wait3A_342, %dma_wait3A_343] : memref<128x2x128xi32, #tpu.memory_space<hbm>> -> memref<1x2x128xi32, #tpu.memory_space<hbm>>
    %dma_wait3A_345 = tpu.memref_squeeze %dma_wait3A_344 : memref<1x2x128xi32, #tpu.memory_space<hbm>> -> memref<2x128xi32, #tpu.memory_space<hbm>>
    tpu.wait_dma2 semaphore(%arg8 : memref<!tpu.dma_semaphore, #tpu.memory_space<semaphore_mem>>) src(%dma_wait3A_345 : memref<2x128xi32, #tpu.memory_space<hbm>>) dst(%dma_wait3A_341 : memref<2x128xi32, #tpu.memory_space<vmem>>)
    %get3A_346 = arith.constant 1 : i32
    %get3A_347 = arith.constant 0 : i32
    %get3A_348 = arith.index_cast %get3A_346 : i32 to index
    %get3A_349 = arith.index_cast %get3A_347 : i32 to index
    %get3A_350 = arith.constant 0 : index
    %get3A_351 = tpu.vector_load %arg5[%get3A_348, %get3A_349, %get3A_350] {strides = array<i32>} : memref<8x2x128xi32, #tpu.memory_space<vmem>>, vector<16xi32>,
    %get3A_352 = arith.constant 1 : i32
    %get3A_353 = arith.constant 1 : i32
    %get3A_354 = arith.index_cast %get3A_352 : i32 to index
    %get3A_355 = arith.index_cast %get3A_353 : i32 to index
    %get3A_356 = arith.constant 0 : index
    %get3A_357 = tpu.vector_load %arg5[%get3A_354, %get3A_355, %get3A_356] {strides = array<i32>} : memref<8x2x128xi32, #tpu.memory_space<vmem>>, vector<16xi32>,
    %mul3A_358 = arith.constant 16 : i32
    %mul3A_359 = vector.broadcast %mul3A_358 : i32 to vector<16xi32>
    %mul3A_360 = arith.muli %get3A_351, %mul3A_359 : vector<16xi32>
    %add3A_361 = arith.addi %mul3A_360, %get3A_357 : vector<16xi32>
    %gather3A_362 = tpu.vector_load_idx %arg6[%add3A_361] : memref<160xf32, #tpu.memory_space<vmem>>[vector<16xi32>], vector<16xf32>,
    %swap3A_363 = arith.constant 128 : index
    %swap3A_364 = tpu.vector_load %arg7[%swap3A_363] {strides = array<i32>} : memref<1024xf32, #tpu.memory_space<vmem>>, vector<16xf32>,
    tpu.vector_store %arg7[%swap3A_363], %gather3A_362 {strides = array<i32>} : memref<1024xf32, #tpu.memory_space<vmem>>, vector<16xf32>,
    %get3A_365 = arith.constant 1 : i32
    %get3A_366 = arith.constant 0 : i32
    %get3A_367 = arith.index_cast %get3A_365 : i32 to index
    %get3A_368 = arith.index_cast %get3A_366 : i32 to index
    %get3A_369 = arith.constant 16 : index
    %get3A_370 = tpu.vector_load %arg5[%get3A_367, %get3A_368, %get3A_369] {strides = array<i32>} : memref<8x2x128xi32, #tpu.memory_space<vmem>>, vector<16xi32>,
    %get3A_371 = arith.constant 1 : i32
    %get3A_372 = arith.constant 1 : i32
    %get3A_373 = arith.index_cast %get3A_371 : i32 to index
    %get3A_374 = arith.index_cast %get3A_372 : i32 to index
    %get3A_375 = arith.constant 16 : index
    %get3A_376 = tpu.vector_load %arg5[%get3A_373, %get3A_374, %get3A_375] {strides = array<i32>} : memref<8x2x128xi32, #tpu.memory_space<vmem>>, vector<16xi32>,
    %mul3A_377 = arith.constant 16 : i32
    %mul3A_378 = vector.broadcast %mul3A_377 : i32 to vector<16xi32>
    %mul3A_379 = arith.muli %get3A_370, %mul3A_378 : vector<16xi32>
    %add3A_380 = arith.addi %mul3A_379, %get3A_376 : vector<16xi32>
    %gather3A_381 = tpu.vector_load_idx %arg6[%add3A_380] : memref<160xf32, #tpu.memory_space<vmem>>[vector<16xi32>], vector<16xf32>,
    %swap3A_382 = arith.constant 144 : index
    %swap3A_383 = tpu.vector_load %arg7[%swap3A_382] {strides = array<i32>} : memref<1024xf32, #tpu.memory_space<vmem>>, vector<16xf32>,
    tpu.vector_store %arg7[%swap3A_382], %gather3A_381 {strides = array<i32>} : memref<1024xf32, #tpu.memory_space<vmem>>, vector<16xf32>,
    %get3A_384 = arith.constant 1 : i32
    %get3A_385 = arith.constant 0 : i32
    %get3A_386 = arith.index_cast %get3A_384 : i32 to index
    %get3A_387 = arith.index_cast %get3A_385 : i32 to index
    %get3A_388 = arith.constant 32 : index
    %get3A_389 = tpu.vector_load %arg5[%get3A_386, %get3A_387, %get3A_388] {strides = array<i32>} : memref<8x2x128xi32, #tpu.memory_space<vmem>>, vector<16xi32>,
    %get3A_390 = arith.constant 1 : i32
    %get3A_391 = arith.constant 1 : i32
    %get3A_392 = arith.index_cast %get3A_390 : i32 to index
    %get3A_393 = arith.index_cast %get3A_391 : i32 to index
    %get3A_394 = arith.constant 32 : index
    %get3A_395 = tpu.vector_load %arg5[%get3A_392, %get3A_393, %get3A_394] {strides = array<i32>} : memref<8x2x128xi32, #tpu.memory_space<vmem>>, vector<16xi32>,
    %mul3A_396 = arith.constant 16 : i32
    %mul3A_397 = vector.broadcast %mul3A_396 : i32 to vector<16xi32>
    %mul3A_398 = arith.muli %get3A_389, %mul3A_397 : vector<16xi32>
    %add3A_399 = arith.addi %mul3A_398, %get3A_395 : vector<16xi32>
    %gather3A_400 = tpu.vector_load_idx %arg6[%add3A_399] : memref<160xf32, #tpu.memory_space<vmem>>[vector<16xi32>], vector<16xf32>,
    %swap3A_401 = arith.constant 160 : index
    %swap3A_402 = tpu.vector_load %arg7[%swap3A_401] {strides = array<i32>} : memref<1024xf32, #tpu.memory_space<vmem>>, vector<16xf32>,
    tpu.vector_store %arg7[%swap3A_401], %gather3A_400 {strides = array<i32>} : memref<1024xf32, #tpu.memory_space<vmem>>, vector<16xf32>,
    %get3A_403 = arith.constant 1 : i32
    %get3A_404 = arith.constant 0 : i32
    %get3A_405 = arith.index_cast %get3A_403 : i32 to index
    %get3A_406 = arith.index_cast %get3A_404 : i32 to index
    %get3A_407 = arith.constant 48 : index
    %get3A_408 = tpu.vector_load %arg5[%get3A_405, %get3A_406, %get3A_407] {strides = array<i32>} : memref<8x2x128xi32, #tpu.memory_space<vmem>>, vector<16xi32>,
    %get3A_409 = arith.constant 1 : i32
    %get3A_410 = arith.constant 1 : i32
    %get3A_411 = arith.index_cast %get3A_409 : i32 to index
    %get3A_412 = arith.index_cast %get3A_410 : i32 to index
    %get3A_413 = arith.constant 48 : index
    %get3A_414 = tpu.vector_load %arg5[%get3A_411, %get3A_412, %get3A_413] {strides = array<i32>} : memref<8x2x128xi32, #tpu.memory_space<vmem>>, vector<16xi32>,
    %mul3A_415 = arith.constant 16 : i32
    %mul3A_416 = vector.broadcast %mul3A_415 : i32 to vector<16xi32>
    %mul3A_417 = arith.muli %get3A_408, %mul3A_416 : vector<16xi32>
    %add3A_418 = arith.addi %mul3A_417, %get3A_414 : vector<16xi32>
    %gather3A_419 = tpu.vector_load_idx %arg6[%add3A_418] : memref<160xf32, #tpu.memory_space<vmem>>[vector<16xi32>], vector<16xf32>,
    %swap3A_420 = arith.constant 176 : index
    %swap3A_421 = tpu.vector_load %arg7[%swap3A_420] {strides = array<i32>} : memref<1024xf32, #tpu.memory_space<vmem>>, vector<16xf32>,
    tpu.vector_store %arg7[%swap3A_420], %gather3A_419 {strides = array<i32>} : memref<1024xf32, #tpu.memory_space<vmem>>, vector<16xf32>,
    %get3A_422 = arith.constant 1 : i32
    %get3A_423 = arith.constant 0 : i32
    %get3A_424 = arith.index_cast %get3A_422 : i32 to index
    %get3A_425 = arith.index_cast %get3A_423 : i32 to index
    %get3A_426 = arith.constant 64 : index
    %get3A_427 = tpu.vector_load %arg5[%get3A_424, %get3A_425, %get3A_426] {strides = array<i32>} : memref<8x2x128xi32, #tpu.memory_space<vmem>>, vector<16xi32>,
    %get3A_428 = arith.constant 1 : i32
    %get3A_429 = arith.constant 1 : i32
    %get3A_430 = arith.index_cast %get3A_428 : i32 to index
    %get3A_431 = arith.index_cast %get3A_429 : i32 to index
    %get3A_432 = arith.constant 64 : index
    %get3A_433 = tpu.vector_load %arg5[%get3A_430, %get3A_431, %get3A_432] {strides = array<i32>} : memref<8x2x128xi32, #tpu.memory_space<vmem>>, vector<16xi32>,
    %mul3A_434 = arith.constant 16 : i32
    %mul3A_435 = vector.broadcast %mul3A_434 : i32 to vector<16xi32>
    %mul3A_436 = arith.muli %get3A_427, %mul3A_435 : vector<16xi32>
    %add3A_437 = arith.addi %mul3A_436, %get3A_433 : vector<16xi32>
    %gather3A_438 = tpu.vector_load_idx %arg6[%add3A_437] : memref<160xf32, #tpu.memory_space<vmem>>[vector<16xi32>], vector<16xf32>,
    %swap3A_439 = arith.constant 192 : index
    %swap3A_440 = tpu.vector_load %arg7[%swap3A_439] {strides = array<i32>} : memref<1024xf32, #tpu.memory_space<vmem>>, vector<16xf32>,
    tpu.vector_store %arg7[%swap3A_439], %gather3A_438 {strides = array<i32>} : memref<1024xf32, #tpu.memory_space<vmem>>, vector<16xf32>,
    %get3A_441 = arith.constant 1 : i32
    %get3A_442 = arith.constant 0 : i32
    %get3A_443 = arith.index_cast %get3A_441 : i32 to index
    %get3A_444 = arith.index_cast %get3A_442 : i32 to index
    %get3A_445 = arith.constant 80 : index
    %get3A_446 = tpu.vector_load %arg5[%get3A_443, %get3A_444, %get3A_445] {strides = array<i32>} : memref<8x2x128xi32, #tpu.memory_space<vmem>>, vector<16xi32>,
    %get3A_447 = arith.constant 1 : i32
    %get3A_448 = arith.constant 1 : i32
    %get3A_449 = arith.index_cast %get3A_447 : i32 to index
    %get3A_450 = arith.index_cast %get3A_448 : i32 to index
    %get3A_451 = arith.constant 80 : index
    %get3A_452 = tpu.vector_load %arg5[%get3A_449, %get3A_450, %get3A_451] {strides = array<i32>} : memref<8x2x128xi32, #tpu.memory_space<vmem>>, vector<16xi32>,
    %mul3A_453 = arith.constant 16 : i32
    %mul3A_454 = vector.broadcast %mul3A_453 : i32 to vector<16xi32>
    %mul3A_455 = arith.muli %get3A_446, %mul3A_454 : vector<16xi32>
    %add3A_456 = arith.addi %mul3A_455, %get3A_452 : vector<16xi32>
    %gather3A_457 = tpu.vector_load_idx %arg6[%add3A_456] : memref<160xf32, #tpu.memory_space<vmem>>[vector<16xi32>], vector<16xf32>,
    %swap3A_458 = arith.constant 208 : index
    %swap3A_459 = tpu.vector_load %arg7[%swap3A_458] {strides = array<i32>} : memref<1024xf32, #tpu.memory_space<vmem>>, vector<16xf32>,
    tpu.vector_store %arg7[%swap3A_458], %gather3A_457 {strides = array<i32>} : memref<1024xf32, #tpu.memory_space<vmem>>, vector<16xf32>,
    %get3A_460 = arith.constant 1 : i32
    %get3A_461 = arith.constant 0 : i32
    %get3A_462 = arith.index_cast %get3A_460 : i32 to index
    %get3A_463 = arith.index_cast %get3A_461 : i32 to index
    %get3A_464 = arith.constant 96 : index
    %get3A_465 = tpu.vector_load %arg5[%get3A_462, %get3A_463, %get3A_464] {strides = array<i32>} : memref<8x2x128xi32, #tpu.memory_space<vmem>>, vector<16xi32>,
    %get3A_466 = arith.constant 1 : i32
    %get3A_467 = arith.constant 1 : i32
    %get3A_468 = arith.index_cast %get3A_466 : i32 to index
    %get3A_469 = arith.index_cast %get3A_467 : i32 to index
    %get3A_470 = arith.constant 96 : index
    %get3A_471 = tpu.vector_load %arg5[%get3A_468, %get3A_469, %get3A_470] {strides = array<i32>} : memref<8x2x128xi32, #tpu.memory_space<vmem>>, vector<16xi32>,
    %mul3A_472 = arith.constant 16 : i32
    %mul3A_473 = vector.broadcast %mul3A_472 : i32 to vector<16xi32>
    %mul3A_474 = arith.muli %get3A_465, %mul3A_473 : vector<16xi32>
    %add3A_475 = arith.addi %mul3A_474, %get3A_471 : vector<16xi32>
    %gather3A_476 = tpu.vector_load_idx %arg6[%add3A_475] : memref<160xf32, #tpu.memory_space<vmem>>[vector<16xi32>], vector<16xf32>,
    %swap3A_477 = arith.constant 224 : index
    %swap3A_478 = tpu.vector_load %arg7[%swap3A_477] {strides = array<i32>} : memref<1024xf32, #tpu.memory_space<vmem>>, vector<16xf32>,
    tpu.vector_store %arg7[%swap3A_477], %gather3A_476 {strides = array<i32>} : memref<1024xf32, #tpu.memory_space<vmem>>, vector<16xf32>,
    %get3A_479 = arith.constant 1 : i32
    %get3A_480 = arith.constant 0 : i32
    %get3A_481 = arith.index_cast %get3A_479 : i32 to index
    %get3A_482 = arith.index_cast %get3A_480 : i32 to index
    %get3A_483 = arith.constant 112 : index
    %get3A_484 = tpu.vector_load %arg5[%get3A_481, %get3A_482, %get3A_483] {strides = array<i32>} : memref<8x2x128xi32, #tpu.memory_space<vmem>>, vector<16xi32>,
    %get3A_485 = arith.constant 1 : i32
    %get3A_486 = arith.constant 1 : i32
    %get3A_487 = arith.index_cast %get3A_485 : i32 to index
    %get3A_488 = arith.index_cast %get3A_486 : i32 to index
    %get3A_489 = arith.constant 112 : index
    %get3A_490 = tpu.vector_load %arg5[%get3A_487, %get3A_488, %get3A_489] {strides = array<i32>} : memref<8x2x128xi32, #tpu.memory_space<vmem>>, vector<16xi32>,
    %mul3A_491 = arith.constant 16 : i32
    %mul3A_492 = vector.broadcast %mul3A_491 : i32 to vector<16xi32>
    %mul3A_493 = arith.muli %get3A_484, %mul3A_492 : vector<16xi32>
    %add3A_494 = arith.addi %mul3A_493, %get3A_490 : vector<16xi32>
    %gather3A_495 = tpu.vector_load_idx %arg6[%add3A_494] : memref<160xf32, #tpu.memory_space<vmem>>[vector<16xi32>], vector<16xf32>,
    %swap3A_496 = arith.constant 240 : index
    %swap3A_497 = tpu.vector_load %arg7[%swap3A_496] {strides = array<i32>} : memref<1024xf32, #tpu.memory_space<vmem>>, vector<16xf32>,
    tpu.vector_store %arg7[%swap3A_496], %gather3A_495 {strides = array<i32>} : memref<1024xf32, #tpu.memory_space<vmem>>, vector<16xf32>,
    %mul3A_498 = arith.constant 1024 : i32
    %mul3A_499 = arith.muli %add3A, %mul3A_498 : i32
    %add3A_500 = arith.constant 128 : i32
    %add3A_501 = arith.addi %mul3A_499, %add3A_500 : i32
    %dma_start3A_502 = arith.constant 128 : i32
    %dma_start3A_503 = tpu.memref_slice %arg7[%dma_start3A_502] : memref<1024xf32, #tpu.memory_space<vmem>> -> memref<128xf32, #tpu.memory_space<vmem>>
    %dma_start3A_504 = tpu.memref_slice %arg4[%add3A_501] : memref<16384xf32, #tpu.memory_space<hbm>> -> memref<128xf32, #tpu.memory_space<hbm>>
    %dma_start3A_505 = tpu.memref_slice %arg4[%add3A_501] : memref<16384xf32, #tpu.memory_space<hbm>> -> memref<128xf32, #tpu.memory_space<hbm>>
    %dma_start3A_506 = arith.constant 128 : i32
    %dma_start3A_507 = tpu.memref_slice %arg7[%dma_start3A_506] : memref<1024xf32, #tpu.memory_space<vmem>> -> memref<128xf32, #tpu.memory_space<vmem>>
    tpu.enqueue_dma source(%dma_start3A_507 : memref<128xf32, #tpu.memory_space<vmem>>) target(%dma_start3A_505 : memref<128xf32, #tpu.memory_space<hbm>>) target_semaphore(%arg10 : memref<!tpu.dma_semaphore, #tpu.memory_space<semaphore_mem>>)
    %dma_wait3A_508 = arith.constant 2 : i32
    %dma_wait3A_509 = arith.constant 0 : i32
    %dma_wait3A_510 = arith.constant 0 : i32
    %dma_wait3A_511 = tpu.memref_slice %arg5[%dma_wait3A_508, %dma_wait3A_509, %dma_wait3A_510] : memref<8x2x128xi32, #tpu.memory_space<vmem>> -> memref<1x2x128xi32, #tpu.memory_space<vmem>>
    %dma_wait3A_512 = tpu.memref_squeeze %dma_wait3A_511 : memref<1x2x128xi32, #tpu.memory_space<vmem>> -> memref<2x128xi32, #tpu.memory_space<vmem>>
    %dma_wait3A_513 = arith.constant 0 : i32
    %dma_wait3A_514 = arith.constant 0 : i32
    %dma_wait3A_515 = tpu.memref_slice %arg2[%add3A_41, %dma_wait3A_513, %dma_wait3A_514] : memref<128x2x128xi32, #tpu.memory_space<hbm>> -> memref<1x2x128xi32, #tpu.memory_space<hbm>>
    %dma_wait3A_516 = tpu.memref_squeeze %dma_wait3A_515 : memref<1x2x128xi32, #tpu.memory_space<hbm>> -> memref<2x128xi32, #tpu.memory_space<hbm>>
    %dma_wait3A_517 = arith.constant 0 : i32
    %dma_wait3A_518 = arith.constant 0 : i32
    %dma_wait3A_519 = tpu.memref_slice %arg5[%dma_wait3A_508, %dma_wait3A_517, %dma_wait3A_518] : memref<8x2x128xi32, #tpu.memory_space<vmem>> -> memref<1x2x128xi32, #tpu.memory_space<vmem>>
    %dma_wait3A_520 = tpu.memref_squeeze %dma_wait3A_519 : memref<1x2x128xi32, #tpu.memory_space<vmem>> -> memref<2x128xi32, #tpu.memory_space<vmem>>
    %dma_wait3A_521 = arith.constant 0 : i32
    %dma_wait3A_522 = arith.constant 0 : i32
    %dma_wait3A_523 = tpu.memref_slice %arg2[%add3A_41, %dma_wait3A_521, %dma_wait3A_522] : memref<128x2x128xi32, #tpu.memory_space<hbm>> -> memref<1x2x128xi32, #tpu.memory_space<hbm>>
    %dma_wait3A_524 = tpu.memref_squeeze %dma_wait3A_523 : memref<1x2x128xi32, #tpu.memory_space<hbm>> -> memref<2x128xi32, #tpu.memory_space<hbm>>
    tpu.wait_dma2 semaphore(%arg8 : memref<!tpu.dma_semaphore, #tpu.memory_space<semaphore_mem>>) src(%dma_wait3A_524 : memref<2x128xi32, #tpu.memory_space<hbm>>) dst(%dma_wait3A_520 : memref<2x128xi32, #tpu.memory_space<vmem>>)
    %get3A_525 = arith.constant 2 : i32
    %get3A_526 = arith.constant 0 : i32
    %get3A_527 = arith.index_cast %get3A_525 : i32 to index
    %get3A_528 = arith.index_cast %get3A_526 : i32 to index
    %get3A_529 = arith.constant 0 : index
    %get3A_530 = tpu.vector_load %arg5[%get3A_527, %get3A_528, %get3A_529] {strides = array<i32>} : memref<8x2x128xi32, #tpu.memory_space<vmem>>, vector<16xi32>,
    %get3A_531 = arith.constant 2 : i32
    %get3A_532 = arith.constant 1 : i32
    %get3A_533 = arith.index_cast %get3A_531 : i32 to index
    %get3A_534 = arith.index_cast %get3A_532 : i32 to index
    %get3A_535 = arith.constant 0 : index
    %get3A_536 = tpu.vector_load %arg5[%get3A_533, %get3A_534, %get3A_535] {strides = array<i32>} : memref<8x2x128xi32, #tpu.memory_space<vmem>>, vector<16xi32>,
    %mul3A_537 = arith.constant 16 : i32
    %mul3A_538 = vector.broadcast %mul3A_537 : i32 to vector<16xi32>
    %mul3A_539 = arith.muli %get3A_530, %mul3A_538 : vector<16xi32>
    %add3A_540 = arith.addi %mul3A_539, %get3A_536 : vector<16xi32>
    %gather3A_541 = tpu.vector_load_idx %arg6[%add3A_540] : memref<160xf32, #tpu.memory_space<vmem>>[vector<16xi32>], vector<16xf32>,
    %swap3A_542 = arith.constant 256 : index
    %swap3A_543 = tpu.vector_load %arg7[%swap3A_542] {strides = array<i32>} : memref<1024xf32, #tpu.memory_space<vmem>>, vector<16xf32>,
    tpu.vector_store %arg7[%swap3A_542], %gather3A_541 {strides = array<i32>} : memref<1024xf32, #tpu.memory_space<vmem>>, vector<16xf32>,
    %get3A_544 = arith.constant 2 : i32
    %get3A_545 = arith.constant 0 : i32
    %get3A_546 = arith.index_cast %get3A_544 : i32 to index
    %get3A_547 = arith.index_cast %get3A_545 : i32 to index
    %get3A_548 = arith.constant 16 : index
    %get3A_549 = tpu.vector_load %arg5[%get3A_546, %get3A_547, %get3A_548] {strides = array<i32>} : memref<8x2x128xi32, #tpu.memory_space<vmem>>, vector<16xi32>,
    %get3A_550 = arith.constant 2 : i32
    %get3A_551 = arith.constant 1 : i32
    %get3A_552 = arith.index_cast %get3A_550 : i32 to index
    %get3A_553 = arith.index_cast %get3A_551 : i32 to index
    %get3A_554 = arith.constant 16 : index
    %get3A_555 = tpu.vector_load %arg5[%get3A_552, %get3A_553, %get3A_554] {strides = array<i32>} : memref<8x2x128xi32, #tpu.memory_space<vmem>>, vector<16xi32>,
    %mul3A_556 = arith.constant 16 : i32
    %mul3A_557 = vector.broadcast %mul3A_556 : i32 to vector<16xi32>
    %mul3A_558 = arith.muli %get3A_549, %mul3A_557 : vector<16xi32>
    %add3A_559 = arith.addi %mul3A_558, %get3A_555 : vector<16xi32>
    %gather3A_560 = tpu.vector_load_idx %arg6[%add3A_559] : memref<160xf32, #tpu.memory_space<vmem>>[vector<16xi32>], vector<16xf32>,
    %swap3A_561 = arith.constant 272 : index
    %swap3A_562 = tpu.vector_load %arg7[%swap3A_561] {strides = array<i32>} : memref<1024xf32, #tpu.memory_space<vmem>>, vector<16xf32>,
    tpu.vector_store %arg7[%swap3A_561], %gather3A_560 {strides = array<i32>} : memref<1024xf32, #tpu.memory_space<vmem>>, vector<16xf32>,
    %get3A_563 = arith.constant 2 : i32
    %get3A_564 = arith.constant 0 : i32
    %get3A_565 = arith.index_cast %get3A_563 : i32 to index
    %get3A_566 = arith.index_cast %get3A_564 : i32 to index
    %get3A_567 = arith.constant 32 : index
    %get3A_568 = tpu.vector_load %arg5[%get3A_565, %get3A_566, %get3A_567] {strides = array<i32>} : memref<8x2x128xi32, #tpu.memory_space<vmem>>, vector<16xi32>,
    %get3A_569 = arith.constant 2 : i32
    %get3A_570 = arith.constant 1 : i32
    %get3A_571 = arith.index_cast %get3A_569 : i32 to index
    %get3A_572 = arith.index_cast %get3A_570 : i32 to index
    %get3A_573 = arith.constant 32 : index
    %get3A_574 = tpu.vector_load %arg5[%get3A_571, %get3A_572, %get3A_573] {strides = array<i32>} : memref<8x2x128xi32, #tpu.memory_space<vmem>>, vector<16xi32>,
    %mul3A_575 = arith.constant 16 : i32
    %mul3A_576 = vector.broadcast %mul3A_575 : i32 to vector<16xi32>
    %mul3A_577 = arith.muli %get3A_568, %mul3A_576 : vector<16xi32>
    %add3A_578 = arith.addi %mul3A_577, %get3A_574 : vector<16xi32>
    %gather3A_579 = tpu.vector_load_idx %arg6[%add3A_578] : memref<160xf32, #tpu.memory_space<vmem>>[vector<16xi32>], vector<16xf32>,
    %swap3A_580 = arith.constant 288 : index
    %swap3A_581 = tpu.vector_load %arg7[%swap3A_580] {strides = array<i32>} : memref<1024xf32, #tpu.memory_space<vmem>>, vector<16xf32>,
    tpu.vector_store %arg7[%swap3A_580], %gather3A_579 {strides = array<i32>} : memref<1024xf32, #tpu.memory_space<vmem>>, vector<16xf32>,
    %get3A_582 = arith.constant 2 : i32
    %get3A_583 = arith.constant 0 : i32
    %get3A_584 = arith.index_cast %get3A_582 : i32 to index
    %get3A_585 = arith.index_cast %get3A_583 : i32 to index
    %get3A_586 = arith.constant 48 : index
    %get3A_587 = tpu.vector_load %arg5[%get3A_584, %get3A_585, %get3A_586] {strides = array<i32>} : memref<8x2x128xi32, #tpu.memory_space<vmem>>, vector<16xi32>,
    %get3A_588 = arith.constant 2 : i32
    %get3A_589 = arith.constant 1 : i32
    %get3A_590 = arith.index_cast %get3A_588 : i32 to index
    %get3A_591 = arith.index_cast %get3A_589 : i32 to index
    %get3A_592 = arith.constant 48 : index
    %get3A_593 = tpu.vector_load %arg5[%get3A_590, %get3A_591, %get3A_592] {strides = array<i32>} : memref<8x2x128xi32, #tpu.memory_space<vmem>>, vector<16xi32>,
    %mul3A_594 = arith.constant 16 : i32
    %mul3A_595 = vector.broadcast %mul3A_594 : i32 to vector<16xi32>
    %mul3A_596 = arith.muli %get3A_587, %mul3A_595 : vector<16xi32>
    %add3A_597 = arith.addi %mul3A_596, %get3A_593 : vector<16xi32>
    %gather3A_598 = tpu.vector_load_idx %arg6[%add3A_597] : memref<160xf32, #tpu.memory_space<vmem>>[vector<16xi32>], vector<16xf32>,
    %swap3A_599 = arith.constant 304 : index
    %swap3A_600 = tpu.vector_load %arg7[%swap3A_599] {strides = array<i32>} : memref<1024xf32, #tpu.memory_space<vmem>>, vector<16xf32>,
    tpu.vector_store %arg7[%swap3A_599], %gather3A_598 {strides = array<i32>} : memref<1024xf32, #tpu.memory_space<vmem>>, vector<16xf32>,
    %get3A_601 = arith.constant 2 : i32
    %get3A_602 = arith.constant 0 : i32
    %get3A_603 = arith.index_cast %get3A_601 : i32 to index
    %get3A_604 = arith.index_cast %get3A_602 : i32 to index
    %get3A_605 = arith.constant 64 : index
    %get3A_606 = tpu.vector_load %arg5[%get3A_603, %get3A_604, %get3A_605] {strides = array<i32>} : memref<8x2x128xi32, #tpu.memory_space<vmem>>, vector<16xi32>,
    %get3A_607 = arith.constant 2 : i32
    %get3A_608 = arith.constant 1 : i32
    %get3A_609 = arith.index_cast %get3A_607 : i32 to index
    %get3A_610 = arith.index_cast %get3A_608 : i32 to index
    %get3A_611 = arith.constant 64 : index
    %get3A_612 = tpu.vector_load %arg5[%get3A_609, %get3A_610, %get3A_611] {strides = array<i32>} : memref<8x2x128xi32, #tpu.memory_space<vmem>>, vector<16xi32>,
    %mul3A_613 = arith.constant 16 : i32
    %mul3A_614 = vector.broadcast %mul3A_613 : i32 to vector<16xi32>
    %mul3A_615 = arith.muli %get3A_606, %mul3A_614 : vector<16xi32>
    %add3A_616 = arith.addi %mul3A_615, %get3A_612 : vector<16xi32>
    %gather3A_617 = tpu.vector_load_idx %arg6[%add3A_616] : memref<160xf32, #tpu.memory_space<vmem>>[vector<16xi32>], vector<16xf32>,
    %swap3A_618 = arith.constant 320 : index
    %swap3A_619 = tpu.vector_load %arg7[%swap3A_618] {strides = array<i32>} : memref<1024xf32, #tpu.memory_space<vmem>>, vector<16xf32>,
    tpu.vector_store %arg7[%swap3A_618], %gather3A_617 {strides = array<i32>} : memref<1024xf32, #tpu.memory_space<vmem>>, vector<16xf32>,
    %get3A_620 = arith.constant 2 : i32
    %get3A_621 = arith.constant 0 : i32
    %get3A_622 = arith.index_cast %get3A_620 : i32 to index
    %get3A_623 = arith.index_cast %get3A_621 : i32 to index
    %get3A_624 = arith.constant 80 : index
    %get3A_625 = tpu.vector_load %arg5[%get3A_622, %get3A_623, %get3A_624] {strides = array<i32>} : memref<8x2x128xi32, #tpu.memory_space<vmem>>, vector<16xi32>,
    %get3A_626 = arith.constant 2 : i32
    %get3A_627 = arith.constant 1 : i32
    %get3A_628 = arith.index_cast %get3A_626 : i32 to index
    %get3A_629 = arith.index_cast %get3A_627 : i32 to index
    %get3A_630 = arith.constant 80 : index
    %get3A_631 = tpu.vector_load %arg5[%get3A_628, %get3A_629, %get3A_630] {strides = array<i32>} : memref<8x2x128xi32, #tpu.memory_space<vmem>>, vector<16xi32>,
    %mul3A_632 = arith.constant 16 : i32
    %mul3A_633 = vector.broadcast %mul3A_632 : i32 to vector<16xi32>
    %mul3A_634 = arith.muli %get3A_625, %mul3A_633 : vector<16xi32>
    %add3A_635 = arith.addi %mul3A_634, %get3A_631 : vector<16xi32>
    %gather3A_636 = tpu.vector_load_idx %arg6[%add3A_635] : memref<160xf32, #tpu.memory_space<vmem>>[vector<16xi32>], vector<16xf32>,
    %swap3A_637 = arith.constant 336 : index
    %swap3A_638 = tpu.vector_load %arg7[%swap3A_637] {strides = array<i32>} : memref<1024xf32, #tpu.memory_space<vmem>>, vector<16xf32>,
    tpu.vector_store %arg7[%swap3A_637], %gather3A_636 {strides = array<i32>} : memref<1024xf32, #tpu.memory_space<vmem>>, vector<16xf32>,
    %get3A_639 = arith.constant 2 : i32
    %get3A_640 = arith.constant 0 : i32
    %get3A_641 = arith.index_cast %get3A_639 : i32 to index
    %get3A_642 = arith.index_cast %get3A_640 : i32 to index
    %get3A_643 = arith.constant 96 : index
    %get3A_644 = tpu.vector_load %arg5[%get3A_641, %get3A_642, %get3A_643] {strides = array<i32>} : memref<8x2x128xi32, #tpu.memory_space<vmem>>, vector<16xi32>,
    %get3A_645 = arith.constant 2 : i32
    %get3A_646 = arith.constant 1 : i32
    %get3A_647 = arith.index_cast %get3A_645 : i32 to index
    %get3A_648 = arith.index_cast %get3A_646 : i32 to index
    %get3A_649 = arith.constant 96 : index
    %get3A_650 = tpu.vector_load %arg5[%get3A_647, %get3A_648, %get3A_649] {strides = array<i32>} : memref<8x2x128xi32, #tpu.memory_space<vmem>>, vector<16xi32>,
    %mul3A_651 = arith.constant 16 : i32
    %mul3A_652 = vector.broadcast %mul3A_651 : i32 to vector<16xi32>
    %mul3A_653 = arith.muli %get3A_644, %mul3A_652 : vector<16xi32>
    %add3A_654 = arith.addi %mul3A_653, %get3A_650 : vector<16xi32>
    %gather3A_655 = tpu.vector_load_idx %arg6[%add3A_654] : memref<160xf32, #tpu.memory_space<vmem>>[vector<16xi32>], vector<16xf32>,
    %swap3A_656 = arith.constant 352 : index
    %swap3A_657 = tpu.vector_load %arg7[%swap3A_656] {strides = array<i32>} : memref<1024xf32, #tpu.memory_space<vmem>>, vector<16xf32>,
    tpu.vector_store %arg7[%swap3A_656], %gather3A_655 {strides = array<i32>} : memref<1024xf32, #tpu.memory_space<vmem>>, vector<16xf32>,
    %get3A_658 = arith.constant 2 : i32
    %get3A_659 = arith.constant 0 : i32
    %get3A_660 = arith.index_cast %get3A_658 : i32 to index
    %get3A_661 = arith.index_cast %get3A_659 : i32 to index
    %get3A_662 = arith.constant 112 : index
    %get3A_663 = tpu.vector_load %arg5[%get3A_660, %get3A_661, %get3A_662] {strides = array<i32>} : memref<8x2x128xi32, #tpu.memory_space<vmem>>, vector<16xi32>,
    %get3A_664 = arith.constant 2 : i32
    %get3A_665 = arith.constant 1 : i32
    %get3A_666 = arith.index_cast %get3A_664 : i32 to index
    %get3A_667 = arith.index_cast %get3A_665 : i32 to index
    %get3A_668 = arith.constant 112 : index
    %get3A_669 = tpu.vector_load %arg5[%get3A_666, %get3A_667, %get3A_668] {strides = array<i32>} : memref<8x2x128xi32, #tpu.memory_space<vmem>>, vector<16xi32>,
    %mul3A_670 = arith.constant 16 : i32
    %mul3A_671 = vector.broadcast %mul3A_670 : i32 to vector<16xi32>
    %mul3A_672 = arith.muli %get3A_663, %mul3A_671 : vector<16xi32>
    %add3A_673 = arith.addi %mul3A_672, %get3A_669 : vector<16xi32>
    %gather3A_674 = tpu.vector_load_idx %arg6[%add3A_673] : memref<160xf32, #tpu.memory_space<vmem>>[vector<16xi32>], vector<16xf32>,
    %swap3A_675 = arith.constant 368 : index
    %swap3A_676 = tpu.vector_load %arg7[%swap3A_675] {strides = array<i32>} : memref<1024xf32, #tpu.memory_space<vmem>>, vector<16xf32>,
    tpu.vector_store %arg7[%swap3A_675], %gather3A_674 {strides = array<i32>} : memref<1024xf32, #tpu.memory_space<vmem>>, vector<16xf32>,
    %mul3A_677 = arith.constant 1024 : i32
    %mul3A_678 = arith.muli %add3A, %mul3A_677 : i32
    %add3A_679 = arith.constant 256 : i32
    %add3A_680 = arith.addi %mul3A_678, %add3A_679 : i32
    %dma_start3A_681 = arith.constant 256 : i32
    %dma_start3A_682 = tpu.memref_slice %arg7[%dma_start3A_681] : memref<1024xf32, #tpu.memory_space<vmem>> -> memref<128xf32, #tpu.memory_space<vmem>>
    %dma_start3A_683 = tpu.memref_slice %arg4[%add3A_680] : memref<16384xf32, #tpu.memory_space<hbm>> -> memref<128xf32, #tpu.memory_space<hbm>>
    %dma_start3A_684 = tpu.memref_slice %arg4[%add3A_680] : memref<16384xf32, #tpu.memory_space<hbm>> -> memref<128xf32, #tpu.memory_space<hbm>>
    %dma_start3A_685 = arith.constant 256 : i32
    %dma_start3A_686 = tpu.memref_slice %arg7[%dma_start3A_685] : memref<1024xf32, #tpu.memory_space<vmem>> -> memref<128xf32, #tpu.memory_space<vmem>>
    tpu.enqueue_dma source(%dma_start3A_686 : memref<128xf32, #tpu.memory_space<vmem>>) target(%dma_start3A_684 : memref<128xf32, #tpu.memory_space<hbm>>) target_semaphore(%arg10 : memref<!tpu.dma_semaphore, #tpu.memory_space<semaphore_mem>>)
    %dma_wait3A_687 = arith.constant 3 : i32
    %dma_wait3A_688 = arith.constant 0 : i32
    %dma_wait3A_689 = arith.constant 0 : i32
    %dma_wait3A_690 = tpu.memref_slice %arg5[%dma_wait3A_687, %dma_wait3A_688, %dma_wait3A_689] : memref<8x2x128xi32, #tpu.memory_space<vmem>> -> memref<1x2x128xi32, #tpu.memory_space<vmem>>
    %dma_wait3A_691 = tpu.memref_squeeze %dma_wait3A_690 : memref<1x2x128xi32, #tpu.memory_space<vmem>> -> memref<2x128xi32, #tpu.memory_space<vmem>>
    %dma_wait3A_692 = arith.constant 0 : i32
    %dma_wait3A_693 = arith.constant 0 : i32
    %dma_wait3A_694 = tpu.memref_slice %arg2[%add3A_60, %dma_wait3A_692, %dma_wait3A_693] : memref<128x2x128xi32, #tpu.memory_space<hbm>> -> memref<1x2x128xi32, #tpu.memory_space<hbm>>
    %dma_wait3A_695 = tpu.memref_squeeze %dma_wait3A_694 : memref<1x2x128xi32, #tpu.memory_space<hbm>> -> memref<2x128xi32, #tpu.memory_space<hbm>>
    %dma_wait3A_696 = arith.constant 0 : i32
    %dma_wait3A_697 = arith.constant 0 : i32
    %dma_wait3A_698 = tpu.memref_slice %arg5[%dma_wait3A_687, %dma_wait3A_696, %dma_wait3A_697] : memref<8x2x128xi32, #tpu.memory_space<vmem>> -> memref<1x2x128xi32, #tpu.memory_space<vmem>>
    %dma_wait3A_699 = tpu.memref_squeeze %dma_wait3A_698 : memref<1x2x128xi32, #tpu.memory_space<vmem>> -> memref<2x128xi32, #tpu.memory_space<vmem>>
    %dma_wait3A_700 = arith.constant 0 : i32
    %dma_wait3A_701 = arith.constant 0 : i32
    %dma_wait3A_702 = tpu.memref_slice %arg2[%add3A_60, %dma_wait3A_700, %dma_wait3A_701] : memref<128x2x128xi32, #tpu.memory_space<hbm>> -> memref<1x2x128xi32, #tpu.memory_space<hbm>>
    %dma_wait3A_703 = tpu.memref_squeeze %dma_wait3A_702 : memref<1x2x128xi32, #tpu.memory_space<hbm>> -> memref<2x128xi32, #tpu.memory_space<hbm>>
    tpu.wait_dma2 semaphore(%arg8 : memref<!tpu.dma_semaphore, #tpu.memory_space<semaphore_mem>>) src(%dma_wait3A_703 : memref<2x128xi32, #tpu.memory_space<hbm>>) dst(%dma_wait3A_699 : memref<2x128xi32, #tpu.memory_space<vmem>>)
    %get3A_704 = arith.constant 3 : i32
    %get3A_705 = arith.constant 0 : i32
    %get3A_706 = arith.index_cast %get3A_704 : i32 to index
    %get3A_707 = arith.index_cast %get3A_705 : i32 to index
    %get3A_708 = arith.constant 0 : index
    %get3A_709 = tpu.vector_load %arg5[%get3A_706, %get3A_707, %get3A_708] {strides = array<i32>} : memref<8x2x128xi32, #tpu.memory_space<vmem>>, vector<16xi32>,
    %get3A_710 = arith.constant 3 : i32
    %get3A_711 = arith.constant 1 : i32
    %get3A_712 = arith.index_cast %get3A_710 : i32 to index
    %get3A_713 = arith.index_cast %get3A_711 : i32 to index
    %get3A_714 = arith.constant 0 : index
    %get3A_715 = tpu.vector_load %arg5[%get3A_712, %get3A_713, %get3A_714] {strides = array<i32>} : memref<8x2x128xi32, #tpu.memory_space<vmem>>, vector<16xi32>,
    %mul3A_716 = arith.constant 16 : i32
    %mul3A_717 = vector.broadcast %mul3A_716 : i32 to vector<16xi32>
    %mul3A_718 = arith.muli %get3A_709, %mul3A_717 : vector<16xi32>
    %add3A_719 = arith.addi %mul3A_718, %get3A_715 : vector<16xi32>
    %gather3A_720 = tpu.vector_load_idx %arg6[%add3A_719] : memref<160xf32, #tpu.memory_space<vmem>>[vector<16xi32>], vector<16xf32>,
    %swap3A_721 = arith.constant 384 : index
    %swap3A_722 = tpu.vector_load %arg7[%swap3A_721] {strides = array<i32>} : memref<1024xf32, #tpu.memory_space<vmem>>, vector<16xf32>,
    tpu.vector_store %arg7[%swap3A_721], %gather3A_720 {strides = array<i32>} : memref<1024xf32, #tpu.memory_space<vmem>>, vector<16xf32>,
    %get3A_723 = arith.constant 3 : i32
    %get3A_724 = arith.constant 0 : i32
    %get3A_725 = arith.index_cast %get3A_723 : i32 to index
    %get3A_726 = arith.index_cast %get3A_724 : i32 to index
    %get3A_727 = arith.constant 16 : index
    %get3A_728 = tpu.vector_load %arg5[%get3A_725, %get3A_726, %get3A_727] {strides = array<i32>} : memref<8x2x128xi32, #tpu.memory_space<vmem>>, vector<16xi32>,
    %get3A_729 = arith.constant 3 : i32
    %get3A_730 = arith.constant 1 : i32
    %get3A_731 = arith.index_cast %get3A_729 : i32 to index
    %get3A_732 = arith.index_cast %get3A_730 : i32 to index
    %get3A_733 = arith.constant 16 : index
    %get3A_734 = tpu.vector_load %arg5[%get3A_731, %get3A_732, %get3A_733] {strides = array<i32>} : memref<8x2x128xi32, #tpu.memory_space<vmem>>, vector<16xi32>,
    %mul3A_735 = arith.constant 16 : i32
    %mul3A_736 = vector.broadcast %mul3A_735 : i32 to vector<16xi32>
    %mul3A_737 = arith.muli %get3A_728, %mul3A_736 : vector<16xi32>
    %add3A_738 = arith.addi %mul3A_737, %get3A_734 : vector<16xi32>
    %gather3A_739 = tpu.vector_load_idx %arg6[%add3A_738] : memref<160xf32, #tpu.memory_space<vmem>>[vector<16xi32>], vector<16xf32>,
    %swap3A_740 = arith.constant 400 : index
    %swap3A_741 = tpu.vector_load %arg7[%swap3A_740] {strides = array<i32>} : memref<1024xf32, #tpu.memory_space<vmem>>, vector<16xf32>,
    tpu.vector_store %arg7[%swap3A_740], %gather3A_739 {strides = array<i32>} : memref<1024xf32, #tpu.memory_space<vmem>>, vector<16xf32>,
    %get3A_742 = arith.constant 3 : i32
    %get3A_743 = arith.constant 0 : i32
    %get3A_744 = arith.index_cast %get3A_742 : i32 to index
    %get3A_745 = arith.index_cast %get3A_743 : i32 to index
    %get3A_746 = arith.constant 32 : index
    %get3A_747 = tpu.vector_load %arg5[%get3A_744, %get3A_745, %get3A_746] {strides = array<i32>} : memref<8x2x128xi32, #tpu.memory_space<vmem>>, vector<16xi32>,
    %get3A_748 = arith.constant 3 : i32
    %get3A_749 = arith.constant 1 : i32
    %get3A_750 = arith.index_cast %get3A_748 : i32 to index
    %get3A_751 = arith.index_cast %get3A_749 : i32 to index
    %get3A_752 = arith.constant 32 : index
    %get3A_753 = tpu.vector_load %arg5[%get3A_750, %get3A_751, %get3A_752] {strides = array<i32>} : memref<8x2x128xi32, #tpu.memory_space<vmem>>, vector<16xi32>,
    %mul3A_754 = arith.constant 16 : i32
    %mul3A_755 = vector.broadcast %mul3A_754 : i32 to vector<16xi32>
    %mul3A_756 = arith.muli %get3A_747, %mul3A_755 : vector<16xi32>
    %add3A_757 = arith.addi %mul3A_756, %get3A_753 : vector<16xi32>
    %gather3A_758 = tpu.vector_load_idx %arg6[%add3A_757] : memref<160xf32, #tpu.memory_space<vmem>>[vector<16xi32>], vector<16xf32>,
    %swap3A_759 = arith.constant 416 : index
    %swap3A_760 = tpu.vector_load %arg7[%swap3A_759] {strides = array<i32>} : memref<1024xf32, #tpu.memory_space<vmem>>, vector<16xf32>,
    tpu.vector_store %arg7[%swap3A_759], %gather3A_758 {strides = array<i32>} : memref<1024xf32, #tpu.memory_space<vmem>>, vector<16xf32>,
    %get3A_761 = arith.constant 3 : i32
    %get3A_762 = arith.constant 0 : i32
    %get3A_763 = arith.index_cast %get3A_761 : i32 to index
    %get3A_764 = arith.index_cast %get3A_762 : i32 to index
    %get3A_765 = arith.constant 48 : index
    %get3A_766 = tpu.vector_load %arg5[%get3A_763, %get3A_764, %get3A_765] {strides = array<i32>} : memref<8x2x128xi32, #tpu.memory_space<vmem>>, vector<16xi32>,
    %get3A_767 = arith.constant 3 : i32
    %get3A_768 = arith.constant 1 : i32
    %get3A_769 = arith.index_cast %get3A_767 : i32 to index
    %get3A_770 = arith.index_cast %get3A_768 : i32 to index
    %get3A_771 = arith.constant 48 : index
    %get3A_772 = tpu.vector_load %arg5[%get3A_769, %get3A_770, %get3A_771] {strides = array<i32>} : memref<8x2x128xi32, #tpu.memory_space<vmem>>, vector<16xi32>,
    %mul3A_773 = arith.constant 16 : i32
    %mul3A_774 = vector.broadcast %mul3A_773 : i32 to vector<16xi32>
    %mul3A_775 = arith.muli %get3A_766, %mul3A_774 : vector<16xi32>
    %add3A_776 = arith.addi %mul3A_775, %get3A_772 : vector<16xi32>
    %gather3A_777 = tpu.vector_load_idx %arg6[%add3A_776] : memref<160xf32, #tpu.memory_space<vmem>>[vector<16xi32>], vector<16xf32>,
    %swap3A_778 = arith.constant 432 : index
    %swap3A_779 = tpu.vector_load %arg7[%swap3A_778] {strides = array<i32>} : memref<1024xf32, #tpu.memory_space<vmem>>, vector<16xf32>,
    tpu.vector_store %arg7[%swap3A_778], %gather3A_777 {strides = array<i32>} : memref<1024xf32, #tpu.memory_space<vmem>>, vector<16xf32>,
    %get3A_780 = arith.constant 3 : i32
    %get3A_781 = arith.constant 0 : i32
    %get3A_782 = arith.index_cast %get3A_780 : i32 to index
    %get3A_783 = arith.index_cast %get3A_781 : i32 to index
    %get3A_784 = arith.constant 64 : index
    %get3A_785 = tpu.vector_load %arg5[%get3A_782, %get3A_783, %get3A_784] {strides = array<i32>} : memref<8x2x128xi32, #tpu.memory_space<vmem>>, vector<16xi32>,
    %get3A_786 = arith.constant 3 : i32
    %get3A_787 = arith.constant 1 : i32
    %get3A_788 = arith.index_cast %get3A_786 : i32 to index
    %get3A_789 = arith.index_cast %get3A_787 : i32 to index
    %get3A_790 = arith.constant 64 : index
    %get3A_791 = tpu.vector_load %arg5[%get3A_788, %get3A_789, %get3A_790] {strides = array<i32>} : memref<8x2x128xi32, #tpu.memory_space<vmem>>, vector<16xi32>,
    %mul3A_792 = arith.constant 16 : i32
    %mul3A_793 = vector.broadcast %mul3A_792 : i32 to vector<16xi32>
    %mul3A_794 = arith.muli %get3A_785, %mul3A_793 : vector<16xi32>
    %add3A_795 = arith.addi %mul3A_794, %get3A_791 : vector<16xi32>
    %gather3A_796 = tpu.vector_load_idx %arg6[%add3A_795] : memref<160xf32, #tpu.memory_space<vmem>>[vector<16xi32>], vector<16xf32>,
    %swap3A_797 = arith.constant 448 : index
    %swap3A_798 = tpu.vector_load %arg7[%swap3A_797] {strides = array<i32>} : memref<1024xf32, #tpu.memory_space<vmem>>, vector<16xf32>,
    tpu.vector_store %arg7[%swap3A_797], %gather3A_796 {strides = array<i32>} : memref<1024xf32, #tpu.memory_space<vmem>>, vector<16xf32>,
    %get3A_799 = arith.constant 3 : i32
    %get3A_800 = arith.constant 0 : i32
    %get3A_801 = arith.index_cast %get3A_799 : i32 to index
    %get3A_802 = arith.index_cast %get3A_800 : i32 to index
    %get3A_803 = arith.constant 80 : index
    %get3A_804 = tpu.vector_load %arg5[%get3A_801, %get3A_802, %get3A_803] {strides = array<i32>} : memref<8x2x128xi32, #tpu.memory_space<vmem>>, vector<16xi32>,
    %get3A_805 = arith.constant 3 : i32
    %get3A_806 = arith.constant 1 : i32
    %get3A_807 = arith.index_cast %get3A_805 : i32 to index
    %get3A_808 = arith.index_cast %get3A_806 : i32 to index
    %get3A_809 = arith.constant 80 : index
    %get3A_810 = tpu.vector_load %arg5[%get3A_807, %get3A_808, %get3A_809] {strides = array<i32>} : memref<8x2x128xi32, #tpu.memory_space<vmem>>, vector<16xi32>,
    %mul3A_811 = arith.constant 16 : i32
    %mul3A_812 = vector.broadcast %mul3A_811 : i32 to vector<16xi32>
    %mul3A_813 = arith.muli %get3A_804, %mul3A_812 : vector<16xi32>
    %add3A_814 = arith.addi %mul3A_813, %get3A_810 : vector<16xi32>
    %gather3A_815 = tpu.vector_load_idx %arg6[%add3A_814] : memref<160xf32, #tpu.memory_space<vmem>>[vector<16xi32>], vector<16xf32>,
    %swap3A_816 = arith.constant 464 : index
    %swap3A_817 = tpu.vector_load %arg7[%swap3A_816] {strides = array<i32>} : memref<1024xf32, #tpu.memory_space<vmem>>, vector<16xf32>,
    tpu.vector_store %arg7[%swap3A_816], %gather3A_815 {strides = array<i32>} : memref<1024xf32, #tpu.memory_space<vmem>>, vector<16xf32>,
    %get3A_818 = arith.constant 3 : i32
    %get3A_819 = arith.constant 0 : i32
    %get3A_820 = arith.index_cast %get3A_818 : i32 to index
    %get3A_821 = arith.index_cast %get3A_819 : i32 to index
    %get3A_822 = arith.constant 96 : index
    %get3A_823 = tpu.vector_load %arg5[%get3A_820, %get3A_821, %get3A_822] {strides = array<i32>} : memref<8x2x128xi32, #tpu.memory_space<vmem>>, vector<16xi32>,
    %get3A_824 = arith.constant 3 : i32
    %get3A_825 = arith.constant 1 : i32
    %get3A_826 = arith.index_cast %get3A_824 : i32 to index
    %get3A_827 = arith.index_cast %get3A_825 : i32 to index
    %get3A_828 = arith.constant 96 : index
    %get3A_829 = tpu.vector_load %arg5[%get3A_826, %get3A_827, %get3A_828] {strides = array<i32>} : memref<8x2x128xi32, #tpu.memory_space<vmem>>, vector<16xi32>,
    %mul3A_830 = arith.constant 16 : i32
    %mul3A_831 = vector.broadcast %mul3A_830 : i32 to vector<16xi32>
    %mul3A_832 = arith.muli %get3A_823, %mul3A_831 : vector<16xi32>
    %add3A_833 = arith.addi %mul3A_832, %get3A_829 : vector<16xi32>
    %gather3A_834 = tpu.vector_load_idx %arg6[%add3A_833] : memref<160xf32, #tpu.memory_space<vmem>>[vector<16xi32>], vector<16xf32>,
    %swap3A_835 = arith.constant 480 : index
    %swap3A_836 = tpu.vector_load %arg7[%swap3A_835] {strides = array<i32>} : memref<1024xf32, #tpu.memory_space<vmem>>, vector<16xf32>,
    tpu.vector_store %arg7[%swap3A_835], %gather3A_834 {strides = array<i32>} : memref<1024xf32, #tpu.memory_space<vmem>>, vector<16xf32>,
    %get3A_837 = arith.constant 3 : i32
    %get3A_838 = arith.constant 0 : i32
    %get3A_839 = arith.index_cast %get3A_837 : i32 to index
    %get3A_840 = arith.index_cast %get3A_838 : i32 to index
    %get3A_841 = arith.constant 112 : index
    %get3A_842 = tpu.vector_load %arg5[%get3A_839, %get3A_840, %get3A_841] {strides = array<i32>} : memref<8x2x128xi32, #tpu.memory_space<vmem>>, vector<16xi32>,
    %get3A_843 = arith.constant 3 : i32
    %get3A_844 = arith.constant 1 : i32
    %get3A_845 = arith.index_cast %get3A_843 : i32 to index
    %get3A_846 = arith.index_cast %get3A_844 : i32 to index
    %get3A_847 = arith.constant 112 : index
    %get3A_848 = tpu.vector_load %arg5[%get3A_845, %get3A_846, %get3A_847] {strides = array<i32>} : memref<8x2x128xi32, #tpu.memory_space<vmem>>, vector<16xi32>,
    %mul3A_849 = arith.constant 16 : i32
    %mul3A_850 = vector.broadcast %mul3A_849 : i32 to vector<16xi32>
    %mul3A_851 = arith.muli %get3A_842, %mul3A_850 : vector<16xi32>
    %add3A_852 = arith.addi %mul3A_851, %get3A_848 : vector<16xi32>
    %gather3A_853 = tpu.vector_load_idx %arg6[%add3A_852] : memref<160xf32, #tpu.memory_space<vmem>>[vector<16xi32>], vector<16xf32>,
    %swap3A_854 = arith.constant 496 : index
    %swap3A_855 = tpu.vector_load %arg7[%swap3A_854] {strides = array<i32>} : memref<1024xf32, #tpu.memory_space<vmem>>, vector<16xf32>,
    tpu.vector_store %arg7[%swap3A_854], %gather3A_853 {strides = array<i32>} : memref<1024xf32, #tpu.memory_space<vmem>>, vector<16xf32>,
    %mul3A_856 = arith.constant 1024 : i32
    %mul3A_857 = arith.muli %add3A, %mul3A_856 : i32
    %add3A_858 = arith.constant 384 : i32
    %add3A_859 = arith.addi %mul3A_857, %add3A_858 : i32
    %dma_start3A_860 = arith.constant 384 : i32
    %dma_start3A_861 = tpu.memref_slice %arg7[%dma_start3A_860] : memref<1024xf32, #tpu.memory_space<vmem>> -> memref<128xf32, #tpu.memory_space<vmem>>
    %dma_start3A_862 = tpu.memref_slice %arg4[%add3A_859] : memref<16384xf32, #tpu.memory_space<hbm>> -> memref<128xf32, #tpu.memory_space<hbm>>
    %dma_start3A_863 = tpu.memref_slice %arg4[%add3A_859] : memref<16384xf32, #tpu.memory_space<hbm>> -> memref<128xf32, #tpu.memory_space<hbm>>
    %dma_start3A_864 = arith.constant 384 : i32
    %dma_start3A_865 = tpu.memref_slice %arg7[%dma_start3A_864] : memref<1024xf32, #tpu.memory_space<vmem>> -> memref<128xf32, #tpu.memory_space<vmem>>
    tpu.enqueue_dma source(%dma_start3A_865 : memref<128xf32, #tpu.memory_space<vmem>>) target(%dma_start3A_863 : memref<128xf32, #tpu.memory_space<hbm>>) target_semaphore(%arg10 : memref<!tpu.dma_semaphore, #tpu.memory_space<semaphore_mem>>)
    %dma_wait3A_866 = arith.constant 4 : i32
    %dma_wait3A_867 = arith.constant 0 : i32
    %dma_wait3A_868 = arith.constant 0 : i32
    %dma_wait3A_869 = tpu.memref_slice %arg5[%dma_wait3A_866, %dma_wait3A_867, %dma_wait3A_868] : memref<8x2x128xi32, #tpu.memory_space<vmem>> -> memref<1x2x128xi32, #tpu.memory_space<vmem>>
    %dma_wait3A_870 = tpu.memref_squeeze %dma_wait3A_869 : memref<1x2x128xi32, #tpu.memory_space<vmem>> -> memref<2x128xi32, #tpu.memory_space<vmem>>
    %dma_wait3A_871 = arith.constant 0 : i32
    %dma_wait3A_872 = arith.constant 0 : i32
    %dma_wait3A_873 = tpu.memref_slice %arg2[%add3A_79, %dma_wait3A_871, %dma_wait3A_872] : memref<128x2x128xi32, #tpu.memory_space<hbm>> -> memref<1x2x128xi32, #tpu.memory_space<hbm>>
    %dma_wait3A_874 = tpu.memref_squeeze %dma_wait3A_873 : memref<1x2x128xi32, #tpu.memory_space<hbm>> -> memref<2x128xi32, #tpu.memory_space<hbm>>
    %dma_wait3A_875 = arith.constant 0 : i32
    %dma_wait3A_876 = arith.constant 0 : i32
    %dma_wait3A_877 = tpu.memref_slice %arg5[%dma_wait3A_866, %dma_wait3A_875, %dma_wait3A_876] : memref<8x2x128xi32, #tpu.memory_space<vmem>> -> memref<1x2x128xi32, #tpu.memory_space<vmem>>
    %dma_wait3A_878 = tpu.memref_squeeze %dma_wait3A_877 : memref<1x2x128xi32, #tpu.memory_space<vmem>> -> memref<2x128xi32, #tpu.memory_space<vmem>>
    %dma_wait3A_879 = arith.constant 0 : i32
    %dma_wait3A_880 = arith.constant 0 : i32
    %dma_wait3A_881 = tpu.memref_slice %arg2[%add3A_79, %dma_wait3A_879, %dma_wait3A_880] : memref<128x2x128xi32, #tpu.memory_space<hbm>> -> memref<1x2x128xi32, #tpu.memory_space<hbm>>
    %dma_wait3A_882 = tpu.memref_squeeze %dma_wait3A_881 : memref<1x2x128xi32, #tpu.memory_space<hbm>> -> memref<2x128xi32, #tpu.memory_space<hbm>>
    tpu.wait_dma2 semaphore(%arg8 : memref<!tpu.dma_semaphore, #tpu.memory_space<semaphore_mem>>) src(%dma_wait3A_882 : memref<2x128xi32, #tpu.memory_space<hbm>>) dst(%dma_wait3A_878 : memref<2x128xi32, #tpu.memory_space<vmem>>)
    %get3A_883 = arith.constant 4 : i32
    %get3A_884 = arith.constant 0 : i32
    %get3A_885 = arith.index_cast %get3A_883 : i32 to index
    %get3A_886 = arith.index_cast %get3A_884 : i32 to index
    %get3A_887 = arith.constant 0 : index
    %get3A_888 = tpu.vector_load %arg5[%get3A_885, %get3A_886, %get3A_887] {strides = array<i32>} : memref<8x2x128xi32, #tpu.memory_space<vmem>>, vector<16xi32>,
    %get3A_889 = arith.constant 4 : i32
    %get3A_890 = arith.constant 1 : i32
    %get3A_891 = arith.index_cast %get3A_889 : i32 to index
    %get3A_892 = arith.index_cast %get3A_890 : i32 to index
    %get3A_893 = arith.constant 0 : index
    %get3A_894 = tpu.vector_load %arg5[%get3A_891, %get3A_892, %get3A_893] {strides = array<i32>} : memref<8x2x128xi32, #tpu.memory_space<vmem>>, vector<16xi32>,
    %mul3A_895 = arith.constant 16 : i32
    %mul3A_896 = vector.broadcast %mul3A_895 : i32 to vector<16xi32>
    %mul3A_897 = arith.muli %get3A_888, %mul3A_896 : vector<16xi32>
    %add3A_898 = arith.addi %mul3A_897, %get3A_894 : vector<16xi32>
    %gather3A_899 = tpu.vector_load_idx %arg6[%add3A_898] : memref<160xf32, #tpu.memory_space<vmem>>[vector<16xi32>], vector<16xf32>,
    %swap3A_900 = arith.constant 512 : index
    %swap3A_901 = tpu.vector_load %arg7[%swap3A_900] {strides = array<i32>} : memref<1024xf32, #tpu.memory_space<vmem>>, vector<16xf32>,
    tpu.vector_store %arg7[%swap3A_900], %gather3A_899 {strides = array<i32>} : memref<1024xf32, #tpu.memory_space<vmem>>, vector<16xf32>,
    %get3A_902 = arith.constant 4 : i32
    %get3A_903 = arith.constant 0 : i32
    %get3A_904 = arith.index_cast %get3A_902 : i32 to index
    %get3A_905 = arith.index_cast %get3A_903 : i32 to index
    %get3A_906 = arith.constant 16 : index
    %get3A_907 = tpu.vector_load %arg5[%get3A_904, %get3A_905, %get3A_906] {strides = array<i32>} : memref<8x2x128xi32, #tpu.memory_space<vmem>>, vector<16xi32>,
    %get3A_908 = arith.constant 4 : i32
    %get3A_909 = arith.constant 1 : i32
    %get3A_910 = arith.index_cast %get3A_908 : i32 to index
    %get3A_911 = arith.index_cast %get3A_909 : i32 to index
    %get3A_912 = arith.constant 16 : index
    %get3A_913 = tpu.vector_load %arg5[%get3A_910, %get3A_911, %get3A_912] {strides = array<i32>} : memref<8x2x128xi32, #tpu.memory_space<vmem>>, vector<16xi32>,
    %mul3A_914 = arith.constant 16 : i32
    %mul3A_915 = vector.broadcast %mul3A_914 : i32 to vector<16xi32>
    %mul3A_916 = arith.muli %get3A_907, %mul3A_915 : vector<16xi32>
    %add3A_917 = arith.addi %mul3A_916, %get3A_913 : vector<16xi32>
    %gather3A_918 = tpu.vector_load_idx %arg6[%add3A_917] : memref<160xf32, #tpu.memory_space<vmem>>[vector<16xi32>], vector<16xf32>,
    %swap3A_919 = arith.constant 528 : index
    %swap3A_920 = tpu.vector_load %arg7[%swap3A_919] {strides = array<i32>} : memref<1024xf32, #tpu.memory_space<vmem>>, vector<16xf32>,
    tpu.vector_store %arg7[%swap3A_919], %gather3A_918 {strides = array<i32>} : memref<1024xf32, #tpu.memory_space<vmem>>, vector<16xf32>,
    %get3A_921 = arith.constant 4 : i32
    %get3A_922 = arith.constant 0 : i32
    %get3A_923 = arith.index_cast %get3A_921 : i32 to index
    %get3A_924 = arith.index_cast %get3A_922 : i32 to index
    %get3A_925 = arith.constant 32 : index
    %get3A_926 = tpu.vector_load %arg5[%get3A_923, %get3A_924, %get3A_925] {strides = array<i32>} : memref<8x2x128xi32, #tpu.memory_space<vmem>>, vector<16xi32>,
    %get3A_927 = arith.constant 4 : i32
    %get3A_928 = arith.constant 1 : i32
    %get3A_929 = arith.index_cast %get3A_927 : i32 to index
    %get3A_930 = arith.index_cast %get3A_928 : i32 to index
    %get3A_931 = arith.constant 32 : index
    %get3A_932 = tpu.vector_load %arg5[%get3A_929, %get3A_930, %get3A_931] {strides = array<i32>} : memref<8x2x128xi32, #tpu.memory_space<vmem>>, vector<16xi32>,
    %mul3A_933 = arith.constant 16 : i32
    %mul3A_934 = vector.broadcast %mul3A_933 : i32 to vector<16xi32>
    %mul3A_935 = arith.muli %get3A_926, %mul3A_934 : vector<16xi32>
    %add3A_936 = arith.addi %mul3A_935, %get3A_932 : vector<16xi32>
    %gather3A_937 = tpu.vector_load_idx %arg6[%add3A_936] : memref<160xf32, #tpu.memory_space<vmem>>[vector<16xi32>], vector<16xf32>,
    %swap3A_938 = arith.constant 544 : index
    %swap3A_939 = tpu.vector_load %arg7[%swap3A_938] {strides = array<i32>} : memref<1024xf32, #tpu.memory_space<vmem>>, vector<16xf32>,
    tpu.vector_store %arg7[%swap3A_938], %gather3A_937 {strides = array<i32>} : memref<1024xf32, #tpu.memory_space<vmem>>, vector<16xf32>,
    %get3A_940 = arith.constant 4 : i32
    %get3A_941 = arith.constant 0 : i32
    %get3A_942 = arith.index_cast %get3A_940 : i32 to index
    %get3A_943 = arith.index_cast %get3A_941 : i32 to index
    %get3A_944 = arith.constant 48 : index
    %get3A_945 = tpu.vector_load %arg5[%get3A_942, %get3A_943, %get3A_944] {strides = array<i32>} : memref<8x2x128xi32, #tpu.memory_space<vmem>>, vector<16xi32>,
    %get3A_946 = arith.constant 4 : i32
    %get3A_947 = arith.constant 1 : i32
    %get3A_948 = arith.index_cast %get3A_946 : i32 to index
    %get3A_949 = arith.index_cast %get3A_947 : i32 to index
    %get3A_950 = arith.constant 48 : index
    %get3A_951 = tpu.vector_load %arg5[%get3A_948, %get3A_949, %get3A_950] {strides = array<i32>} : memref<8x2x128xi32, #tpu.memory_space<vmem>>, vector<16xi32>,
    %mul3A_952 = arith.constant 16 : i32
    %mul3A_953 = vector.broadcast %mul3A_952 : i32 to vector<16xi32>
    %mul3A_954 = arith.muli %get3A_945, %mul3A_953 : vector<16xi32>
    %add3A_955 = arith.addi %mul3A_954, %get3A_951 : vector<16xi32>
    %gather3A_956 = tpu.vector_load_idx %arg6[%add3A_955] : memref<160xf32, #tpu.memory_space<vmem>>[vector<16xi32>], vector<16xf32>,
    %swap3A_957 = arith.constant 560 : index
    %swap3A_958 = tpu.vector_load %arg7[%swap3A_957] {strides = array<i32>} : memref<1024xf32, #tpu.memory_space<vmem>>, vector<16xf32>,
    tpu.vector_store %arg7[%swap3A_957], %gather3A_956 {strides = array<i32>} : memref<1024xf32, #tpu.memory_space<vmem>>, vector<16xf32>,
    %get3A_959 = arith.constant 4 : i32
    %get3A_960 = arith.constant 0 : i32
    %get3A_961 = arith.index_cast %get3A_959 : i32 to index
    %get3A_962 = arith.index_cast %get3A_960 : i32 to index
    %get3A_963 = arith.constant 64 : index
    %get3A_964 = tpu.vector_load %arg5[%get3A_961, %get3A_962, %get3A_963] {strides = array<i32>} : memref<8x2x128xi32, #tpu.memory_space<vmem>>, vector<16xi32>,
    %get3A_965 = arith.constant 4 : i32
    %get3A_966 = arith.constant 1 : i32
    %get3A_967 = arith.index_cast %get3A_965 : i32 to index
    %get3A_968 = arith.index_cast %get3A_966 : i32 to index
    %get3A_969 = arith.constant 64 : index
    %get3A_970 = tpu.vector_load %arg5[%get3A_967, %get3A_968, %get3A_969] {strides = array<i32>} : memref<8x2x128xi32, #tpu.memory_space<vmem>>, vector<16xi32>,
    %mul3A_971 = arith.constant 16 : i32
    %mul3A_972 = vector.broadcast %mul3A_971 : i32 to vector<16xi32>
    %mul3A_973 = arith.muli %get3A_964, %mul3A_972 : vector<16xi32>
    %add3A_974 = arith.addi %mul3A_973, %get3A_970 : vector<16xi32>
    %gather3A_975 = tpu.vector_load_idx %arg6[%add3A_974] : memref<160xf32, #tpu.memory_space<vmem>>[vector<16xi32>], vector<16xf32>,
    %swap3A_976 = arith.constant 576 : index
    %swap3A_977 = tpu.vector_load %arg7[%swap3A_976] {strides = array<i32>} : memref<1024xf32, #tpu.memory_space<vmem>>, vector<16xf32>,
    tpu.vector_store %arg7[%swap3A_976], %gather3A_975 {strides = array<i32>} : memref<1024xf32, #tpu.memory_space<vmem>>, vector<16xf32>,
    %get3A_978 = arith.constant 4 : i32
    %get3A_979 = arith.constant 0 : i32
    %get3A_980 = arith.index_cast %get3A_978 : i32 to index
    %get3A_981 = arith.index_cast %get3A_979 : i32 to index
    %get3A_982 = arith.constant 80 : index
    %get3A_983 = tpu.vector_load %arg5[%get3A_980, %get3A_981, %get3A_982] {strides = array<i32>} : memref<8x2x128xi32, #tpu.memory_space<vmem>>, vector<16xi32>,
    %get3A_984 = arith.constant 4 : i32
    %get3A_985 = arith.constant 1 : i32
    %get3A_986 = arith.index_cast %get3A_984 : i32 to index
    %get3A_987 = arith.index_cast %get3A_985 : i32 to index
    %get3A_988 = arith.constant 80 : index
    %get3A_989 = tpu.vector_load %arg5[%get3A_986, %get3A_987, %get3A_988] {strides = array<i32>} : memref<8x2x128xi32, #tpu.memory_space<vmem>>, vector<16xi32>,
    %mul3A_990 = arith.constant 16 : i32
    %mul3A_991 = vector.broadcast %mul3A_990 : i32 to vector<16xi32>
    %mul3A_992 = arith.muli %get3A_983, %mul3A_991 : vector<16xi32>
    %add3A_993 = arith.addi %mul3A_992, %get3A_989 : vector<16xi32>
    %gather3A_994 = tpu.vector_load_idx %arg6[%add3A_993] : memref<160xf32, #tpu.memory_space<vmem>>[vector<16xi32>], vector<16xf32>,
    %swap3A_995 = arith.constant 592 : index
    %swap3A_996 = tpu.vector_load %arg7[%swap3A_995] {strides = array<i32>} : memref<1024xf32, #tpu.memory_space<vmem>>, vector<16xf32>,
    tpu.vector_store %arg7[%swap3A_995], %gather3A_994 {strides = array<i32>} : memref<1024xf32, #tpu.memory_space<vmem>>, vector<16xf32>,
    %get3A_997 = arith.constant 4 : i32
    %get3A_998 = arith.constant 0 : i32
    %get3A_999 = arith.index_cast %get3A_997 : i32 to index
    %get3A_1000 = arith.index_cast %get3A_998 : i32 to index
    %get3A_1001 = arith.constant 96 : index
    %get3A_1002 = tpu.vector_load %arg5[%get3A_999, %get3A_1000, %get3A_1001] {strides = array<i32>} : memref<8x2x128xi32, #tpu.memory_space<vmem>>, vector<16xi32>,
    %get3A_1003 = arith.constant 4 : i32
    %get3A_1004 = arith.constant 1 : i32
    %get3A_1005 = arith.index_cast %get3A_1003 : i32 to index
    %get3A_1006 = arith.index_cast %get3A_1004 : i32 to index
    %get3A_1007 = arith.constant 96 : index
    %get3A_1008 = tpu.vector_load %arg5[%get3A_1005, %get3A_1006, %get3A_1007] {strides = array<i32>} : memref<8x2x128xi32, #tpu.memory_space<vmem>>, vector<16xi32>,
    %mul3A_1009 = arith.constant 16 : i32
    %mul3A_1010 = vector.broadcast %mul3A_1009 : i32 to vector<16xi32>
    %mul3A_1011 = arith.muli %get3A_1002, %mul3A_1010 : vector<16xi32>
    %add3A_1012 = arith.addi %mul3A_1011, %get3A_1008 : vector<16xi32>
    %gather3A_1013 = tpu.vector_load_idx %arg6[%add3A_1012] : memref<160xf32, #tpu.memory_space<vmem>>[vector<16xi32>], vector<16xf32>,
    %swap3A_1014 = arith.constant 608 : index
    %swap3A_1015 = tpu.vector_load %arg7[%swap3A_1014] {strides = array<i32>} : memref<1024xf32, #tpu.memory_space<vmem>>, vector<16xf32>,
    tpu.vector_store %arg7[%swap3A_1014], %gather3A_1013 {strides = array<i32>} : memref<1024xf32, #tpu.memory_space<vmem>>, vector<16xf32>,
    %get3A_1016 = arith.constant 4 : i32
    %get3A_1017 = arith.constant 0 : i32
    %get3A_1018 = arith.index_cast %get3A_1016 : i32 to index
    %get3A_1019 = arith.index_cast %get3A_1017 : i32 to index
    %get3A_1020 = arith.constant 112 : index
    %get3A_1021 = tpu.vector_load %arg5[%get3A_1018, %get3A_1019, %get3A_1020] {strides = array<i32>} : memref<8x2x128xi32, #tpu.memory_space<vmem>>, vector<16xi32>,
    %get3A_1022 = arith.constant 4 : i32
    %get3A_1023 = arith.constant 1 : i32
    %get3A_1024 = arith.index_cast %get3A_1022 : i32 to index
    %get3A_1025 = arith.index_cast %get3A_1023 : i32 to index
    %get3A_1026 = arith.constant 112 : index
    %get3A_1027 = tpu.vector_load %arg5[%get3A_1024, %get3A_1025, %get3A_1026] {strides = array<i32>} : memref<8x2x128xi32, #tpu.memory_space<vmem>>, vector<16xi32>,
    %mul3A_1028 = arith.constant 16 : i32
    %mul3A_1029 = vector.broadcast %mul3A_1028 : i32 to vector<16xi32>
    %mul3A_1030 = arith.muli %get3A_1021, %mul3A_1029 : vector<16xi32>
    %add3A_1031 = arith.addi %mul3A_1030, %get3A_1027 : vector<16xi32>
    %gather3A_1032 = tpu.vector_load_idx %arg6[%add3A_1031] : memref<160xf32, #tpu.memory_space<vmem>>[vector<16xi32>], vector<16xf32>,
    %swap3A_1033 = arith.constant 624 : index
    %swap3A_1034 = tpu.vector_load %arg7[%swap3A_1033] {strides = array<i32>} : memref<1024xf32, #tpu.memory_space<vmem>>, vector<16xf32>,
    tpu.vector_store %arg7[%swap3A_1033], %gather3A_1032 {strides = array<i32>} : memref<1024xf32, #tpu.memory_space<vmem>>, vector<16xf32>,
    %mul3A_1035 = arith.constant 1024 : i32
    %mul3A_1036 = arith.muli %add3A, %mul3A_1035 : i32
    %add3A_1037 = arith.constant 512 : i32
    %add3A_1038 = arith.addi %mul3A_1036, %add3A_1037 : i32
    %dma_start3A_1039 = arith.constant 512 : i32
    %dma_start3A_1040 = tpu.memref_slice %arg7[%dma_start3A_1039] : memref<1024xf32, #tpu.memory_space<vmem>> -> memref<128xf32, #tpu.memory_space<vmem>>
    %dma_start3A_1041 = tpu.memref_slice %arg4[%add3A_1038] : memref<16384xf32, #tpu.memory_space<hbm>> -> memref<128xf32, #tpu.memory_space<hbm>>
    %dma_start3A_1042 = tpu.memref_slice %arg4[%add3A_1038] : memref<16384xf32, #tpu.memory_space<hbm>> -> memref<128xf32, #tpu.memory_space<hbm>>
    %dma_start3A_1043 = arith.constant 512 : i32
    %dma_start3A_1044 = tpu.memref_slice %arg7[%dma_start3A_1043] : memref<1024xf32, #tpu.memory_space<vmem>> -> memref<128xf32, #tpu.memory_space<vmem>>
    tpu.enqueue_dma source(%dma_start3A_1044 : memref<128xf32, #tpu.memory_space<vmem>>) target(%dma_start3A_1042 : memref<128xf32, #tpu.memory_space<hbm>>) target_semaphore(%arg10 : memref<!tpu.dma_semaphore, #tpu.memory_space<semaphore_mem>>)
    %dma_wait3A_1045 = arith.constant 5 : i32
    %dma_wait3A_1046 = arith.constant 0 : i32
    %dma_wait3A_1047 = arith.constant 0 : i32
    %dma_wait3A_1048 = tpu.memref_slice %arg5[%dma_wait3A_1045, %dma_wait3A_1046, %dma_wait3A_1047] : memref<8x2x128xi32, #tpu.memory_space<vmem>> -> memref<1x2x128xi32, #tpu.memory_space<vmem>>
    %dma_wait3A_1049 = tpu.memref_squeeze %dma_wait3A_1048 : memref<1x2x128xi32, #tpu.memory_space<vmem>> -> memref<2x128xi32, #tpu.memory_space<vmem>>
    %dma_wait3A_1050 = arith.constant 0 : i32
    %dma_wait3A_1051 = arith.constant 0 : i32
    %dma_wait3A_1052 = tpu.memref_slice %arg2[%add3A_98, %dma_wait3A_1050, %dma_wait3A_1051] : memref<128x2x128xi32, #tpu.memory_space<hbm>> -> memref<1x2x128xi32, #tpu.memory_space<hbm>>
    %dma_wait3A_1053 = tpu.memref_squeeze %dma_wait3A_1052 : memref<1x2x128xi32, #tpu.memory_space<hbm>> -> memref<2x128xi32, #tpu.memory_space<hbm>>
    %dma_wait3A_1054 = arith.constant 0 : i32
    %dma_wait3A_1055 = arith.constant 0 : i32
    %dma_wait3A_1056 = tpu.memref_slice %arg5[%dma_wait3A_1045, %dma_wait3A_1054, %dma_wait3A_1055] : memref<8x2x128xi32, #tpu.memory_space<vmem>> -> memref<1x2x128xi32, #tpu.memory_space<vmem>>
    %dma_wait3A_1057 = tpu.memref_squeeze %dma_wait3A_1056 : memref<1x2x128xi32, #tpu.memory_space<vmem>> -> memref<2x128xi32, #tpu.memory_space<vmem>>
    %dma_wait3A_1058 = arith.constant 0 : i32
    %dma_wait3A_1059 = arith.constant 0 : i32
    %dma_wait3A_1060 = tpu.memref_slice %arg2[%add3A_98, %dma_wait3A_1058, %dma_wait3A_1059] : memref<128x2x128xi32, #tpu.memory_space<hbm>> -> memref<1x2x128xi32, #tpu.memory_space<hbm>>
    %dma_wait3A_1061 = tpu.memref_squeeze %dma_wait3A_1060 : memref<1x2x128xi32, #tpu.memory_space<hbm>> -> memref<2x128xi32, #tpu.memory_space<hbm>>
    tpu.wait_dma2 semaphore(%arg8 : memref<!tpu.dma_semaphore, #tpu.memory_space<semaphore_mem>>) src(%dma_wait3A_1061 : memref<2x128xi32, #tpu.memory_space<hbm>>) dst(%dma_wait3A_1057 : memref<2x128xi32, #tpu.memory_space<vmem>>)
    %get3A_1062 = arith.constant 5 : i32
    %get3A_1063 = arith.constant 0 : i32
    %get3A_1064 = arith.index_cast %get3A_1062 : i32 to index
    %get3A_1065 = arith.index_cast %get3A_1063 : i32 to index
    %get3A_1066 = arith.constant 0 : index
    %get3A_1067 = tpu.vector_load %arg5[%get3A_1064, %get3A_1065, %get3A_1066] {strides = array<i32>} : memref<8x2x128xi32, #tpu.memory_space<vmem>>, vector<16xi32>,
    %get3A_1068 = arith.constant 5 : i32
    %get3A_1069 = arith.constant 1 : i32
    %get3A_1070 = arith.index_cast %get3A_1068 : i32 to index
    %get3A_1071 = arith.index_cast %get3A_1069 : i32 to index
    %get3A_1072 = arith.constant 0 : index
    %get3A_1073 = tpu.vector_load %arg5[%get3A_1070, %get3A_1071, %get3A_1072] {strides = array<i32>} : memref<8x2x128xi32, #tpu.memory_space<vmem>>, vector<16xi32>,
    %mul3A_1074 = arith.constant 16 : i32
    %mul3A_1075 = vector.broadcast %mul3A_1074 : i32 to vector<16xi32>
    %mul3A_1076 = arith.muli %get3A_1067, %mul3A_1075 : vector<16xi32>
    %add3A_1077 = arith.addi %mul3A_1076, %get3A_1073 : vector<16xi32>
    %gather3A_1078 = tpu.vector_load_idx %arg6[%add3A_1077] : memref<160xf32, #tpu.memory_space<vmem>>[vector<16xi32>], vector<16xf32>,
    %swap3A_1079 = arith.constant 640 : index
    %swap3A_1080 = tpu.vector_load %arg7[%swap3A_1079] {strides = array<i32>} : memref<1024xf32, #tpu.memory_space<vmem>>, vector<16xf32>,
    tpu.vector_store %arg7[%swap3A_1079], %gather3A_1078 {strides = array<i32>} : memref<1024xf32, #tpu.memory_space<vmem>>, vector<16xf32>,
    %get3A_1081 = arith.constant 5 : i32
    %get3A_1082 = arith.constant 0 : i32
    %get3A_1083 = arith.index_cast %get3A_1081 : i32 to index
    %get3A_1084 = arith.index_cast %get3A_1082 : i32 to index
    %get3A_1085 = arith.constant 16 : index
    %get3A_1086 = tpu.vector_load %arg5[%get3A_1083, %get3A_1084, %get3A_1085] {strides = array<i32>} : memref<8x2x128xi32, #tpu.memory_space<vmem>>, vector<16xi32>,
    %get3A_1087 = arith.constant 5 : i32
    %get3A_1088 = arith.constant 1 : i32
    %get3A_1089 = arith.index_cast %get3A_1087 : i32 to index
    %get3A_1090 = arith.index_cast %get3A_1088 : i32 to index
    %get3A_1091 = arith.constant 16 : index
    %get3A_1092 = tpu.vector_load %arg5[%get3A_1089, %get3A_1090, %get3A_1091] {strides = array<i32>} : memref<8x2x128xi32, #tpu.memory_space<vmem>>, vector<16xi32>,
    %mul3A_1093 = arith.constant 16 : i32
    %mul3A_1094 = vector.broadcast %mul3A_1093 : i32 to vector<16xi32>
    %mul3A_1095 = arith.muli %get3A_1086, %mul3A_1094 : vector<16xi32>
    %add3A_1096 = arith.addi %mul3A_1095, %get3A_1092 : vector<16xi32>
    %gather3A_1097 = tpu.vector_load_idx %arg6[%add3A_1096] : memref<160xf32, #tpu.memory_space<vmem>>[vector<16xi32>], vector<16xf32>,
    %swap3A_1098 = arith.constant 656 : index
    %swap3A_1099 = tpu.vector_load %arg7[%swap3A_1098] {strides = array<i32>} : memref<1024xf32, #tpu.memory_space<vmem>>, vector<16xf32>,
    tpu.vector_store %arg7[%swap3A_1098], %gather3A_1097 {strides = array<i32>} : memref<1024xf32, #tpu.memory_space<vmem>>, vector<16xf32>,
    %get3A_1100 = arith.constant 5 : i32
    %get3A_1101 = arith.constant 0 : i32
    %get3A_1102 = arith.index_cast %get3A_1100 : i32 to index
    %get3A_1103 = arith.index_cast %get3A_1101 : i32 to index
    %get3A_1104 = arith.constant 32 : index
    %get3A_1105 = tpu.vector_load %arg5[%get3A_1102, %get3A_1103, %get3A_1104] {strides = array<i32>} : memref<8x2x128xi32, #tpu.memory_space<vmem>>, vector<16xi32>,
    %get3A_1106 = arith.constant 5 : i32
    %get3A_1107 = arith.constant 1 : i32
    %get3A_1108 = arith.index_cast %get3A_1106 : i32 to index
    %get3A_1109 = arith.index_cast %get3A_1107 : i32 to index
    %get3A_1110 = arith.constant 32 : index
    %get3A_1111 = tpu.vector_load %arg5[%get3A_1108, %get3A_1109, %get3A_1110] {strides = array<i32>} : memref<8x2x128xi32, #tpu.memory_space<vmem>>, vector<16xi32>,
    %mul3A_1112 = arith.constant 16 : i32
    %mul3A_1113 = vector.broadcast %mul3A_1112 : i32 to vector<16xi32>
    %mul3A_1114 = arith.muli %get3A_1105, %mul3A_1113 : vector<16xi32>
    %add3A_1115 = arith.addi %mul3A_1114, %get3A_1111 : vector<16xi32>
    %gather3A_1116 = tpu.vector_load_idx %arg6[%add3A_1115] : memref<160xf32, #tpu.memory_space<vmem>>[vector<16xi32>], vector<16xf32>,
    %swap3A_1117 = arith.constant 672 : index
    %swap3A_1118 = tpu.vector_load %arg7[%swap3A_1117] {strides = array<i32>} : memref<1024xf32, #tpu.memory_space<vmem>>, vector<16xf32>,
    tpu.vector_store %arg7[%swap3A_1117], %gather3A_1116 {strides = array<i32>} : memref<1024xf32, #tpu.memory_space<vmem>>, vector<16xf32>,
    %get3A_1119 = arith.constant 5 : i32
    %get3A_1120 = arith.constant 0 : i32
    %get3A_1121 = arith.index_cast %get3A_1119 : i32 to index
    %get3A_1122 = arith.index_cast %get3A_1120 : i32 to index
    %get3A_1123 = arith.constant 48 : index
    %get3A_1124 = tpu.vector_load %arg5[%get3A_1121, %get3A_1122, %get3A_1123] {strides = array<i32>} : memref<8x2x128xi32, #tpu.memory_space<vmem>>, vector<16xi32>,
    %get3A_1125 = arith.constant 5 : i32
    %get3A_1126 = arith.constant 1 : i32
    %get3A_1127 = arith.index_cast %get3A_1125 : i32 to index
    %get3A_1128 = arith.index_cast %get3A_1126 : i32 to index
    %get3A_1129 = arith.constant 48 : index
    %get3A_1130 = tpu.vector_load %arg5[%get3A_1127, %get3A_1128, %get3A_1129] {strides = array<i32>} : memref<8x2x128xi32, #tpu.memory_space<vmem>>, vector<16xi32>,
    %mul3A_1131 = arith.constant 16 : i32
    %mul3A_1132 = vector.broadcast %mul3A_1131 : i32 to vector<16xi32>
    %mul3A_1133 = arith.muli %get3A_1124, %mul3A_1132 : vector<16xi32>
    %add3A_1134 = arith.addi %mul3A_1133, %get3A_1130 : vector<16xi32>
    %gather3A_1135 = tpu.vector_load_idx %arg6[%add3A_1134] : memref<160xf32, #tpu.memory_space<vmem>>[vector<16xi32>], vector<16xf32>,
    %swap3A_1136 = arith.constant 688 : index
    %swap3A_1137 = tpu.vector_load %arg7[%swap3A_1136] {strides = array<i32>} : memref<1024xf32, #tpu.memory_space<vmem>>, vector<16xf32>,
    tpu.vector_store %arg7[%swap3A_1136], %gather3A_1135 {strides = array<i32>} : memref<1024xf32, #tpu.memory_space<vmem>>, vector<16xf32>,
    %get3A_1138 = arith.constant 5 : i32
    %get3A_1139 = arith.constant 0 : i32
    %get3A_1140 = arith.index_cast %get3A_1138 : i32 to index
    %get3A_1141 = arith.index_cast %get3A_1139 : i32 to index
    %get3A_1142 = arith.constant 64 : index
    %get3A_1143 = tpu.vector_load %arg5[%get3A_1140, %get3A_1141, %get3A_1142] {strides = array<i32>} : memref<8x2x128xi32, #tpu.memory_space<vmem>>, vector<16xi32>,
    %get3A_1144 = arith.constant 5 : i32
    %get3A_1145 = arith.constant 1 : i32
    %get3A_1146 = arith.index_cast %get3A_1144 : i32 to index
    %get3A_1147 = arith.index_cast %get3A_1145 : i32 to index
    %get3A_1148 = arith.constant 64 : index
    %get3A_1149 = tpu.vector_load %arg5[%get3A_1146, %get3A_1147, %get3A_1148] {strides = array<i32>} : memref<8x2x128xi32, #tpu.memory_space<vmem>>, vector<16xi32>,
    %mul3A_1150 = arith.constant 16 : i32
    %mul3A_1151 = vector.broadcast %mul3A_1150 : i32 to vector<16xi32>
    %mul3A_1152 = arith.muli %get3A_1143, %mul3A_1151 : vector<16xi32>
    %add3A_1153 = arith.addi %mul3A_1152, %get3A_1149 : vector<16xi32>
    %gather3A_1154 = tpu.vector_load_idx %arg6[%add3A_1153] : memref<160xf32, #tpu.memory_space<vmem>>[vector<16xi32>], vector<16xf32>,
    %swap3A_1155 = arith.constant 704 : index
    %swap3A_1156 = tpu.vector_load %arg7[%swap3A_1155] {strides = array<i32>} : memref<1024xf32, #tpu.memory_space<vmem>>, vector<16xf32>,
    tpu.vector_store %arg7[%swap3A_1155], %gather3A_1154 {strides = array<i32>} : memref<1024xf32, #tpu.memory_space<vmem>>, vector<16xf32>,
    %get3A_1157 = arith.constant 5 : i32
    %get3A_1158 = arith.constant 0 : i32
    %get3A_1159 = arith.index_cast %get3A_1157 : i32 to index
    %get3A_1160 = arith.index_cast %get3A_1158 : i32 to index
    %get3A_1161 = arith.constant 80 : index
    %get3A_1162 = tpu.vector_load %arg5[%get3A_1159, %get3A_1160, %get3A_1161] {strides = array<i32>} : memref<8x2x128xi32, #tpu.memory_space<vmem>>, vector<16xi32>,
    %get3A_1163 = arith.constant 5 : i32
    %get3A_1164 = arith.constant 1 : i32
    %get3A_1165 = arith.index_cast %get3A_1163 : i32 to index
    %get3A_1166 = arith.index_cast %get3A_1164 : i32 to index
    %get3A_1167 = arith.constant 80 : index
    %get3A_1168 = tpu.vector_load %arg5[%get3A_1165, %get3A_1166, %get3A_1167] {strides = array<i32>} : memref<8x2x128xi32, #tpu.memory_space<vmem>>, vector<16xi32>,
    %mul3A_1169 = arith.constant 16 : i32
    %mul3A_1170 = vector.broadcast %mul3A_1169 : i32 to vector<16xi32>
    %mul3A_1171 = arith.muli %get3A_1162, %mul3A_1170 : vector<16xi32>
    %add3A_1172 = arith.addi %mul3A_1171, %get3A_1168 : vector<16xi32>
    %gather3A_1173 = tpu.vector_load_idx %arg6[%add3A_1172] : memref<160xf32, #tpu.memory_space<vmem>>[vector<16xi32>], vector<16xf32>,
    %swap3A_1174 = arith.constant 720 : index
    %swap3A_1175 = tpu.vector_load %arg7[%swap3A_1174] {strides = array<i32>} : memref<1024xf32, #tpu.memory_space<vmem>>, vector<16xf32>,
    tpu.vector_store %arg7[%swap3A_1174], %gather3A_1173 {strides = array<i32>} : memref<1024xf32, #tpu.memory_space<vmem>>, vector<16xf32>,
    %get3A_1176 = arith.constant 5 : i32
    %get3A_1177 = arith.constant 0 : i32
    %get3A_1178 = arith.index_cast %get3A_1176 : i32 to index
    %get3A_1179 = arith.index_cast %get3A_1177 : i32 to index
    %get3A_1180 = arith.constant 96 : index
    %get3A_1181 = tpu.vector_load %arg5[%get3A_1178, %get3A_1179, %get3A_1180] {strides = array<i32>} : memref<8x2x128xi32, #tpu.memory_space<vmem>>, vector<16xi32>,
    %get3A_1182 = arith.constant 5 : i32
    %get3A_1183 = arith.constant 1 : i32
    %get3A_1184 = arith.index_cast %get3A_1182 : i32 to index
    %get3A_1185 = arith.index_cast %get3A_1183 : i32 to index
    %get3A_1186 = arith.constant 96 : index
    %get3A_1187 = tpu.vector_load %arg5[%get3A_1184, %get3A_1185, %get3A_1186] {strides = array<i32>} : memref<8x2x128xi32, #tpu.memory_space<vmem>>, vector<16xi32>,
    %mul3A_1188 = arith.constant 16 : i32
    %mul3A_1189 = vector.broadcast %mul3A_1188 : i32 to vector<16xi32>
    %mul3A_1190 = arith.muli %get3A_1181, %mul3A_1189 : vector<16xi32>
    %add3A_1191 = arith.addi %mul3A_1190, %get3A_1187 : vector<16xi32>
    %gather3A_1192 = tpu.vector_load_idx %arg6[%add3A_1191] : memref<160xf32, #tpu.memory_space<vmem>>[vector<16xi32>], vector<16xf32>,
    %swap3A_1193 = arith.constant 736 : index
    %swap3A_1194 = tpu.vector_load %arg7[%swap3A_1193] {strides = array<i32>} : memref<1024xf32, #tpu.memory_space<vmem>>, vector<16xf32>,
    tpu.vector_store %arg7[%swap3A_1193], %gather3A_1192 {strides = array<i32>} : memref<1024xf32, #tpu.memory_space<vmem>>, vector<16xf32>,
    %get3A_1195 = arith.constant 5 : i32
    %get3A_1196 = arith.constant 0 : i32
    %get3A_1197 = arith.index_cast %get3A_1195 : i32 to index
    %get3A_1198 = arith.index_cast %get3A_1196 : i32 to index
    %get3A_1199 = arith.constant 112 : index
    %get3A_1200 = tpu.vector_load %arg5[%get3A_1197, %get3A_1198, %get3A_1199] {strides = array<i32>} : memref<8x2x128xi32, #tpu.memory_space<vmem>>, vector<16xi32>,
    %get3A_1201 = arith.constant 5 : i32
    %get3A_1202 = arith.constant 1 : i32
    %get3A_1203 = arith.index_cast %get3A_1201 : i32 to index
    %get3A_1204 = arith.index_cast %get3A_1202 : i32 to index
    %get3A_1205 = arith.constant 112 : index
    %get3A_1206 = tpu.vector_load %arg5[%get3A_1203, %get3A_1204, %get3A_1205] {strides = array<i32>} : memref<8x2x128xi32, #tpu.memory_space<vmem>>, vector<16xi32>,
    %mul3A_1207 = arith.constant 16 : i32
    %mul3A_1208 = vector.broadcast %mul3A_1207 : i32 to vector<16xi32>
    %mul3A_1209 = arith.muli %get3A_1200, %mul3A_1208 : vector<16xi32>
    %add3A_1210 = arith.addi %mul3A_1209, %get3A_1206 : vector<16xi32>
    %gather3A_1211 = tpu.vector_load_idx %arg6[%add3A_1210] : memref<160xf32, #tpu.memory_space<vmem>>[vector<16xi32>], vector<16xf32>,
    %swap3A_1212 = arith.constant 752 : index
    %swap3A_1213 = tpu.vector_load %arg7[%swap3A_1212] {strides = array<i32>} : memref<1024xf32, #tpu.memory_space<vmem>>, vector<16xf32>,
    tpu.vector_store %arg7[%swap3A_1212], %gather3A_1211 {strides = array<i32>} : memref<1024xf32, #tpu.memory_space<vmem>>, vector<16xf32>,
    %mul3A_1214 = arith.constant 1024 : i32
    %mul3A_1215 = arith.muli %add3A, %mul3A_1214 : i32
    %add3A_1216 = arith.constant 640 : i32
    %add3A_1217 = arith.addi %mul3A_1215, %add3A_1216 : i32
    %dma_start3A_1218 = arith.constant 640 : i32
    %dma_start3A_1219 = tpu.memref_slice %arg7[%dma_start3A_1218] : memref<1024xf32, #tpu.memory_space<vmem>> -> memref<128xf32, #tpu.memory_space<vmem>>
    %dma_start3A_1220 = tpu.memref_slice %arg4[%add3A_1217] : memref<16384xf32, #tpu.memory_space<hbm>> -> memref<128xf32, #tpu.memory_space<hbm>>
    %dma_start3A_1221 = tpu.memref_slice %arg4[%add3A_1217] : memref<16384xf32, #tpu.memory_space<hbm>> -> memref<128xf32, #tpu.memory_space<hbm>>
    %dma_start3A_1222 = arith.constant 640 : i32
    %dma_start3A_1223 = tpu.memref_slice %arg7[%dma_start3A_1222] : memref<1024xf32, #tpu.memory_space<vmem>> -> memref<128xf32, #tpu.memory_space<vmem>>
    tpu.enqueue_dma source(%dma_start3A_1223 : memref<128xf32, #tpu.memory_space<vmem>>) target(%dma_start3A_1221 : memref<128xf32, #tpu.memory_space<hbm>>) target_semaphore(%arg10 : memref<!tpu.dma_semaphore, #tpu.memory_space<semaphore_mem>>)
    %dma_wait3A_1224 = arith.constant 6 : i32
    %dma_wait3A_1225 = arith.constant 0 : i32
    %dma_wait3A_1226 = arith.constant 0 : i32
    %dma_wait3A_1227 = tpu.memref_slice %arg5[%dma_wait3A_1224, %dma_wait3A_1225, %dma_wait3A_1226] : memref<8x2x128xi32, #tpu.memory_space<vmem>> -> memref<1x2x128xi32, #tpu.memory_space<vmem>>
    %dma_wait3A_1228 = tpu.memref_squeeze %dma_wait3A_1227 : memref<1x2x128xi32, #tpu.memory_space<vmem>> -> memref<2x128xi32, #tpu.memory_space<vmem>>
    %dma_wait3A_1229 = arith.constant 0 : i32
    %dma_wait3A_1230 = arith.constant 0 : i32
    %dma_wait3A_1231 = tpu.memref_slice %arg2[%add3A_117, %dma_wait3A_1229, %dma_wait3A_1230] : memref<128x2x128xi32, #tpu.memory_space<hbm>> -> memref<1x2x128xi32, #tpu.memory_space<hbm>>
    %dma_wait3A_1232 = tpu.memref_squeeze %dma_wait3A_1231 : memref<1x2x128xi32, #tpu.memory_space<hbm>> -> memref<2x128xi32, #tpu.memory_space<hbm>>
    %dma_wait3A_1233 = arith.constant 0 : i32
    %dma_wait3A_1234 = arith.constant 0 : i32
    %dma_wait3A_1235 = tpu.memref_slice %arg5[%dma_wait3A_1224, %dma_wait3A_1233, %dma_wait3A_1234] : memref<8x2x128xi32, #tpu.memory_space<vmem>> -> memref<1x2x128xi32, #tpu.memory_space<vmem>>
    %dma_wait3A_1236 = tpu.memref_squeeze %dma_wait3A_1235 : memref<1x2x128xi32, #tpu.memory_space<vmem>> -> memref<2x128xi32, #tpu.memory_space<vmem>>
    %dma_wait3A_1237 = arith.constant 0 : i32
    %dma_wait3A_1238 = arith.constant 0 : i32
    %dma_wait3A_1239 = tpu.memref_slice %arg2[%add3A_117, %dma_wait3A_1237, %dma_wait3A_1238] : memref<128x2x128xi32, #tpu.memory_space<hbm>> -> memref<1x2x128xi32, #tpu.memory_space<hbm>>
    %dma_wait3A_1240 = tpu.memref_squeeze %dma_wait3A_1239 : memref<1x2x128xi32, #tpu.memory_space<hbm>> -> memref<2x128xi32, #tpu.memory_space<hbm>>
    tpu.wait_dma2 semaphore(%arg8 : memref<!tpu.dma_semaphore, #tpu.memory_space<semaphore_mem>>) src(%dma_wait3A_1240 : memref<2x128xi32, #tpu.memory_space<hbm>>) dst(%dma_wait3A_1236 : memref<2x128xi32, #tpu.memory_space<vmem>>)
    %get3A_1241 = arith.constant 6 : i32
    %get3A_1242 = arith.constant 0 : i32
    %get3A_1243 = arith.index_cast %get3A_1241 : i32 to index
    %get3A_1244 = arith.index_cast %get3A_1242 : i32 to index
    %get3A_1245 = arith.constant 0 : index
    %get3A_1246 = tpu.vector_load %arg5[%get3A_1243, %get3A_1244, %get3A_1245] {strides = array<i32>} : memref<8x2x128xi32, #tpu.memory_space<vmem>>, vector<16xi32>,
    %get3A_1247 = arith.constant 6 : i32
    %get3A_1248 = arith.constant 1 : i32
    %get3A_1249 = arith.index_cast %get3A_1247 : i32 to index
    %get3A_1250 = arith.index_cast %get3A_1248 : i32 to index
    %get3A_1251 = arith.constant 0 : index
    %get3A_1252 = tpu.vector_load %arg5[%get3A_1249, %get3A_1250, %get3A_1251] {strides = array<i32>} : memref<8x2x128xi32, #tpu.memory_space<vmem>>, vector<16xi32>,
    %mul3A_1253 = arith.constant 16 : i32
    %mul3A_1254 = vector.broadcast %mul3A_1253 : i32 to vector<16xi32>
    %mul3A_1255 = arith.muli %get3A_1246, %mul3A_1254 : vector<16xi32>
    %add3A_1256 = arith.addi %mul3A_1255, %get3A_1252 : vector<16xi32>
    %gather3A_1257 = tpu.vector_load_idx %arg6[%add3A_1256] : memref<160xf32, #tpu.memory_space<vmem>>[vector<16xi32>], vector<16xf32>,
    %swap3A_1258 = arith.constant 768 : index
    %swap3A_1259 = tpu.vector_load %arg7[%swap3A_1258] {strides = array<i32>} : memref<1024xf32, #tpu.memory_space<vmem>>, vector<16xf32>,
    tpu.vector_store %arg7[%swap3A_1258], %gather3A_1257 {strides = array<i32>} : memref<1024xf32, #tpu.memory_space<vmem>>, vector<16xf32>,
    %get3A_1260 = arith.constant 6 : i32
    %get3A_1261 = arith.constant 0 : i32
    %get3A_1262 = arith.index_cast %get3A_1260 : i32 to index
    %get3A_1263 = arith.index_cast %get3A_1261 : i32 to index
    %get3A_1264 = arith.constant 16 : index
    %get3A_1265 = tpu.vector_load %arg5[%get3A_1262, %get3A_1263, %get3A_1264] {strides = array<i32>} : memref<8x2x128xi32, #tpu.memory_space<vmem>>, vector<16xi32>,
    %get3A_1266 = arith.constant 6 : i32
    %get3A_1267 = arith.constant 1 : i32
    %get3A_1268 = arith.index_cast %get3A_1266 : i32 to index
    %get3A_1269 = arith.index_cast %get3A_1267 : i32 to index
    %get3A_1270 = arith.constant 16 : index
    %get3A_1271 = tpu.vector_load %arg5[%get3A_1268, %get3A_1269, %get3A_1270] {strides = array<i32>} : memref<8x2x128xi32, #tpu.memory_space<vmem>>, vector<16xi32>,
    %mul3A_1272 = arith.constant 16 : i32
    %mul3A_1273 = vector.broadcast %mul3A_1272 : i32 to vector<16xi32>
    %mul3A_1274 = arith.muli %get3A_1265, %mul3A_1273 : vector<16xi32>
    %add3A_1275 = arith.addi %mul3A_1274, %get3A_1271 : vector<16xi32>
    %gather3A_1276 = tpu.vector_load_idx %arg6[%add3A_1275] : memref<160xf32, #tpu.memory_space<vmem>>[vector<16xi32>], vector<16xf32>,
    %swap3A_1277 = arith.constant 784 : index
    %swap3A_1278 = tpu.vector_load %arg7[%swap3A_1277] {strides = array<i32>} : memref<1024xf32, #tpu.memory_space<vmem>>, vector<16xf32>,
    tpu.vector_store %arg7[%swap3A_1277], %gather3A_1276 {strides = array<i32>} : memref<1024xf32, #tpu.memory_space<vmem>>, vector<16xf32>,
    %get3A_1279 = arith.constant 6 : i32
    %get3A_1280 = arith.constant 0 : i32
    %get3A_1281 = arith.index_cast %get3A_1279 : i32 to index
    %get3A_1282 = arith.index_cast %get3A_1280 : i32 to index
    %get3A_1283 = arith.constant 32 : index
    %get3A_1284 = tpu.vector_load %arg5[%get3A_1281, %get3A_1282, %get3A_1283] {strides = array<i32>} : memref<8x2x128xi32, #tpu.memory_space<vmem>>, vector<16xi32>,
    %get3A_1285 = arith.constant 6 : i32
    %get3A_1286 = arith.constant 1 : i32
    %get3A_1287 = arith.index_cast %get3A_1285 : i32 to index
    %get3A_1288 = arith.index_cast %get3A_1286 : i32 to index
    %get3A_1289 = arith.constant 32 : index
    %get3A_1290 = tpu.vector_load %arg5[%get3A_1287, %get3A_1288, %get3A_1289] {strides = array<i32>} : memref<8x2x128xi32, #tpu.memory_space<vmem>>, vector<16xi32>,
    %mul3A_1291 = arith.constant 16 : i32
    %mul3A_1292 = vector.broadcast %mul3A_1291 : i32 to vector<16xi32>
    %mul3A_1293 = arith.muli %get3A_1284, %mul3A_1292 : vector<16xi32>
    %add3A_1294 = arith.addi %mul3A_1293, %get3A_1290 : vector<16xi32>
    %gather3A_1295 = tpu.vector_load_idx %arg6[%add3A_1294] : memref<160xf32, #tpu.memory_space<vmem>>[vector<16xi32>], vector<16xf32>,
    %swap3A_1296 = arith.constant 800 : index
    %swap3A_1297 = tpu.vector_load %arg7[%swap3A_1296] {strides = array<i32>} : memref<1024xf32, #tpu.memory_space<vmem>>, vector<16xf32>,
    tpu.vector_store %arg7[%swap3A_1296], %gather3A_1295 {strides = array<i32>} : memref<1024xf32, #tpu.memory_space<vmem>>, vector<16xf32>,
    %get3A_1298 = arith.constant 6 : i32
    %get3A_1299 = arith.constant 0 : i32
    %get3A_1300 = arith.index_cast %get3A_1298 : i32 to index
    %get3A_1301 = arith.index_cast %get3A_1299 : i32 to index
    %get3A_1302 = arith.constant 48 : index
    %get3A_1303 = tpu.vector_load %arg5[%get3A_1300, %get3A_1301, %get3A_1302] {strides = array<i32>} : memref<8x2x128xi32, #tpu.memory_space<vmem>>, vector<16xi32>,
    %get3A_1304 = arith.constant 6 : i32
    %get3A_1305 = arith.constant 1 : i32
    %get3A_1306 = arith.index_cast %get3A_1304 : i32 to index
    %get3A_1307 = arith.index_cast %get3A_1305 : i32 to index
    %get3A_1308 = arith.constant 48 : index
    %get3A_1309 = tpu.vector_load %arg5[%get3A_1306, %get3A_1307, %get3A_1308] {strides = array<i32>} : memref<8x2x128xi32, #tpu.memory_space<vmem>>, vector<16xi32>,
    %mul3A_1310 = arith.constant 16 : i32
    %mul3A_1311 = vector.broadcast %mul3A_1310 : i32 to vector<16xi32>
    %mul3A_1312 = arith.muli %get3A_1303, %mul3A_1311 : vector<16xi32>
    %add3A_1313 = arith.addi %mul3A_1312, %get3A_1309 : vector<16xi32>
    %gather3A_1314 = tpu.vector_load_idx %arg6[%add3A_1313] : memref<160xf32, #tpu.memory_space<vmem>>[vector<16xi32>], vector<16xf32>,
    %swap3A_1315 = arith.constant 816 : index
    %swap3A_1316 = tpu.vector_load %arg7[%swap3A_1315] {strides = array<i32>} : memref<1024xf32, #tpu.memory_space<vmem>>, vector<16xf32>,
    tpu.vector_store %arg7[%swap3A_1315], %gather3A_1314 {strides = array<i32>} : memref<1024xf32, #tpu.memory_space<vmem>>, vector<16xf32>,
    %get3A_1317 = arith.constant 6 : i32
    %get3A_1318 = arith.constant 0 : i32
    %get3A_1319 = arith.index_cast %get3A_1317 : i32 to index
    %get3A_1320 = arith.index_cast %get3A_1318 : i32 to index
    %get3A_1321 = arith.constant 64 : index
    %get3A_1322 = tpu.vector_load %arg5[%get3A_1319, %get3A_1320, %get3A_1321] {strides = array<i32>} : memref<8x2x128xi32, #tpu.memory_space<vmem>>, vector<16xi32>,
    %get3A_1323 = arith.constant 6 : i32
    %get3A_1324 = arith.constant 1 : i32
    %get3A_1325 = arith.index_cast %get3A_1323 : i32 to index
    %get3A_1326 = arith.index_cast %get3A_1324 : i32 to index
    %get3A_1327 = arith.constant 64 : index
    %get3A_1328 = tpu.vector_load %arg5[%get3A_1325, %get3A_1326, %get3A_1327] {strides = array<i32>} : memref<8x2x128xi32, #tpu.memory_space<vmem>>, vector<16xi32>,
    %mul3A_1329 = arith.constant 16 : i32
    %mul3A_1330 = vector.broadcast %mul3A_1329 : i32 to vector<16xi32>
    %mul3A_1331 = arith.muli %get3A_1322, %mul3A_1330 : vector<16xi32>
    %add3A_1332 = arith.addi %mul3A_1331, %get3A_1328 : vector<16xi32>
    %gather3A_1333 = tpu.vector_load_idx %arg6[%add3A_1332] : memref<160xf32, #tpu.memory_space<vmem>>[vector<16xi32>], vector<16xf32>,
    %swap3A_1334 = arith.constant 832 : index
    %swap3A_1335 = tpu.vector_load %arg7[%swap3A_1334] {strides = array<i32>} : memref<1024xf32, #tpu.memory_space<vmem>>, vector<16xf32>,
    tpu.vector_store %arg7[%swap3A_1334], %gather3A_1333 {strides = array<i32>} : memref<1024xf32, #tpu.memory_space<vmem>>, vector<16xf32>,
    %get3A_1336 = arith.constant 6 : i32
    %get3A_1337 = arith.constant 0 : i32
    %get3A_1338 = arith.index_cast %get3A_1336 : i32 to index
    %get3A_1339 = arith.index_cast %get3A_1337 : i32 to index
    %get3A_1340 = arith.constant 80 : index
    %get3A_1341 = tpu.vector_load %arg5[%get3A_1338, %get3A_1339, %get3A_1340] {strides = array<i32>} : memref<8x2x128xi32, #tpu.memory_space<vmem>>, vector<16xi32>,
    %get3A_1342 = arith.constant 6 : i32
    %get3A_1343 = arith.constant 1 : i32
    %get3A_1344 = arith.index_cast %get3A_1342 : i32 to index
    %get3A_1345 = arith.index_cast %get3A_1343 : i32 to index
    %get3A_1346 = arith.constant 80 : index
    %get3A_1347 = tpu.vector_load %arg5[%get3A_1344, %get3A_1345, %get3A_1346] {strides = array<i32>} : memref<8x2x128xi32, #tpu.memory_space<vmem>>, vector<16xi32>,
    %mul3A_1348 = arith.constant 16 : i32
    %mul3A_1349 = vector.broadcast %mul3A_1348 : i32 to vector<16xi32>
    %mul3A_1350 = arith.muli %get3A_1341, %mul3A_1349 : vector<16xi32>
    %add3A_1351 = arith.addi %mul3A_1350, %get3A_1347 : vector<16xi32>
    %gather3A_1352 = tpu.vector_load_idx %arg6[%add3A_1351] : memref<160xf32, #tpu.memory_space<vmem>>[vector<16xi32>], vector<16xf32>,
    %swap3A_1353 = arith.constant 848 : index
    %swap3A_1354 = tpu.vector_load %arg7[%swap3A_1353] {strides = array<i32>} : memref<1024xf32, #tpu.memory_space<vmem>>, vector<16xf32>,
    tpu.vector_store %arg7[%swap3A_1353], %gather3A_1352 {strides = array<i32>} : memref<1024xf32, #tpu.memory_space<vmem>>, vector<16xf32>,
    %get3A_1355 = arith.constant 6 : i32
    %get3A_1356 = arith.constant 0 : i32
    %get3A_1357 = arith.index_cast %get3A_1355 : i32 to index
    %get3A_1358 = arith.index_cast %get3A_1356 : i32 to index
    %get3A_1359 = arith.constant 96 : index
    %get3A_1360 = tpu.vector_load %arg5[%get3A_1357, %get3A_1358, %get3A_1359] {strides = array<i32>} : memref<8x2x128xi32, #tpu.memory_space<vmem>>, vector<16xi32>,
    %get3A_1361 = arith.constant 6 : i32
    %get3A_1362 = arith.constant 1 : i32
    %get3A_1363 = arith.index_cast %get3A_1361 : i32 to index
    %get3A_1364 = arith.index_cast %get3A_1362 : i32 to index
    %get3A_1365 = arith.constant 96 : index
    %get3A_1366 = tpu.vector_load %arg5[%get3A_1363, %get3A_1364, %get3A_1365] {strides = array<i32>} : memref<8x2x128xi32, #tpu.memory_space<vmem>>, vector<16xi32>,
    %mul3A_1367 = arith.constant 16 : i32
    %mul3A_1368 = vector.broadcast %mul3A_1367 : i32 to vector<16xi32>
    %mul3A_1369 = arith.muli %get3A_1360, %mul3A_1368 : vector<16xi32>
    %add3A_1370 = arith.addi %mul3A_1369, %get3A_1366 : vector<16xi32>
    %gather3A_1371 = tpu.vector_load_idx %arg6[%add3A_1370] : memref<160xf32, #tpu.memory_space<vmem>>[vector<16xi32>], vector<16xf32>,
    %swap3A_1372 = arith.constant 864 : index
    %swap3A_1373 = tpu.vector_load %arg7[%swap3A_1372] {strides = array<i32>} : memref<1024xf32, #tpu.memory_space<vmem>>, vector<16xf32>,
    tpu.vector_store %arg7[%swap3A_1372], %gather3A_1371 {strides = array<i32>} : memref<1024xf32, #tpu.memory_space<vmem>>, vector<16xf32>,
    %get3A_1374 = arith.constant 6 : i32
    %get3A_1375 = arith.constant 0 : i32
    %get3A_1376 = arith.index_cast %get3A_1374 : i32 to index
    %get3A_1377 = arith.index_cast %get3A_1375 : i32 to index
    %get3A_1378 = arith.constant 112 : index
    %get3A_1379 = tpu.vector_load %arg5[%get3A_1376, %get3A_1377, %get3A_1378] {strides = array<i32>} : memref<8x2x128xi32, #tpu.memory_space<vmem>>, vector<16xi32>,
    %get3A_1380 = arith.constant 6 : i32
    %get3A_1381 = arith.constant 1 : i32
    %get3A_1382 = arith.index_cast %get3A_1380 : i32 to index
    %get3A_1383 = arith.index_cast %get3A_1381 : i32 to index
    %get3A_1384 = arith.constant 112 : index
    %get3A_1385 = tpu.vector_load %arg5[%get3A_1382, %get3A_1383, %get3A_1384] {strides = array<i32>} : memref<8x2x128xi32, #tpu.memory_space<vmem>>, vector<16xi32>,
    %mul3A_1386 = arith.constant 16 : i32
    %mul3A_1387 = vector.broadcast %mul3A_1386 : i32 to vector<16xi32>
    %mul3A_1388 = arith.muli %get3A_1379, %mul3A_1387 : vector<16xi32>
    %add3A_1389 = arith.addi %mul3A_1388, %get3A_1385 : vector<16xi32>
    %gather3A_1390 = tpu.vector_load_idx %arg6[%add3A_1389] : memref<160xf32, #tpu.memory_space<vmem>>[vector<16xi32>], vector<16xf32>,
    %swap3A_1391 = arith.constant 880 : index
    %swap3A_1392 = tpu.vector_load %arg7[%swap3A_1391] {strides = array<i32>} : memref<1024xf32, #tpu.memory_space<vmem>>, vector<16xf32>,
    tpu.vector_store %arg7[%swap3A_1391], %gather3A_1390 {strides = array<i32>} : memref<1024xf32, #tpu.memory_space<vmem>>, vector<16xf32>,
    %mul3A_1393 = arith.constant 1024 : i32
    %mul3A_1394 = arith.muli %add3A, %mul3A_1393 : i32
    %add3A_1395 = arith.constant 768 : i32
    %add3A_1396 = arith.addi %mul3A_1394, %add3A_1395 : i32
    %dma_start3A_1397 = arith.constant 768 : i32
    %dma_start3A_1398 = tpu.memref_slice %arg7[%dma_start3A_1397] : memref<1024xf32, #tpu.memory_space<vmem>> -> memref<128xf32, #tpu.memory_space<vmem>>
    %dma_start3A_1399 = tpu.memref_slice %arg4[%add3A_1396] : memref<16384xf32, #tpu.memory_space<hbm>> -> memref<128xf32, #tpu.memory_space<hbm>>
    %dma_start3A_1400 = tpu.memref_slice %arg4[%add3A_1396] : memref<16384xf32, #tpu.memory_space<hbm>> -> memref<128xf32, #tpu.memory_space<hbm>>
    %dma_start3A_1401 = arith.constant 768 : i32
    %dma_start3A_1402 = tpu.memref_slice %arg7[%dma_start3A_1401] : memref<1024xf32, #tpu.memory_space<vmem>> -> memref<128xf32, #tpu.memory_space<vmem>>
    tpu.enqueue_dma source(%dma_start3A_1402 : memref<128xf32, #tpu.memory_space<vmem>>) target(%dma_start3A_1400 : memref<128xf32, #tpu.memory_space<hbm>>) target_semaphore(%arg10 : memref<!tpu.dma_semaphore, #tpu.memory_space<semaphore_mem>>)
    %dma_wait3A_1403 = arith.constant 7 : i32
    %dma_wait3A_1404 = arith.constant 0 : i32
    %dma_wait3A_1405 = arith.constant 0 : i32
    %dma_wait3A_1406 = tpu.memref_slice %arg5[%dma_wait3A_1403, %dma_wait3A_1404, %dma_wait3A_1405] : memref<8x2x128xi32, #tpu.memory_space<vmem>> -> memref<1x2x128xi32, #tpu.memory_space<vmem>>
    %dma_wait3A_1407 = tpu.memref_squeeze %dma_wait3A_1406 : memref<1x2x128xi32, #tpu.memory_space<vmem>> -> memref<2x128xi32, #tpu.memory_space<vmem>>
    %dma_wait3A_1408 = arith.constant 0 : i32
    %dma_wait3A_1409 = arith.constant 0 : i32
    %dma_wait3A_1410 = tpu.memref_slice %arg2[%add3A_136, %dma_wait3A_1408, %dma_wait3A_1409] : memref<128x2x128xi32, #tpu.memory_space<hbm>> -> memref<1x2x128xi32, #tpu.memory_space<hbm>>
    %dma_wait3A_1411 = tpu.memref_squeeze %dma_wait3A_1410 : memref<1x2x128xi32, #tpu.memory_space<hbm>> -> memref<2x128xi32, #tpu.memory_space<hbm>>
    %dma_wait3A_1412 = arith.constant 0 : i32
    %dma_wait3A_1413 = arith.constant 0 : i32
    %dma_wait3A_1414 = tpu.memref_slice %arg5[%dma_wait3A_1403, %dma_wait3A_1412, %dma_wait3A_1413] : memref<8x2x128xi32, #tpu.memory_space<vmem>> -> memref<1x2x128xi32, #tpu.memory_space<vmem>>
    %dma_wait3A_1415 = tpu.memref_squeeze %dma_wait3A_1414 : memref<1x2x128xi32, #tpu.memory_space<vmem>> -> memref<2x128xi32, #tpu.memory_space<vmem>>
    %dma_wait3A_1416 = arith.constant 0 : i32
    %dma_wait3A_1417 = arith.constant 0 : i32
    %dma_wait3A_1418 = tpu.memref_slice %arg2[%add3A_136, %dma_wait3A_1416, %dma_wait3A_1417] : memref<128x2x128xi32, #tpu.memory_space<hbm>> -> memref<1x2x128xi32, #tpu.memory_space<hbm>>
    %dma_wait3A_1419 = tpu.memref_squeeze %dma_wait3A_1418 : memref<1x2x128xi32, #tpu.memory_space<hbm>> -> memref<2x128xi32, #tpu.memory_space<hbm>>
    tpu.wait_dma2 semaphore(%arg8 : memref<!tpu.dma_semaphore, #tpu.memory_space<semaphore_mem>>) src(%dma_wait3A_1419 : memref<2x128xi32, #tpu.memory_space<hbm>>) dst(%dma_wait3A_1415 : memref<2x128xi32, #tpu.memory_space<vmem>>)
    %get3A_1420 = arith.constant 7 : i32
    %get3A_1421 = arith.constant 0 : i32
    %get3A_1422 = arith.index_cast %get3A_1420 : i32 to index
    %get3A_1423 = arith.index_cast %get3A_1421 : i32 to index
    %get3A_1424 = arith.constant 0 : index
    %get3A_1425 = tpu.vector_load %arg5[%get3A_1422, %get3A_1423, %get3A_1424] {strides = array<i32>} : memref<8x2x128xi32, #tpu.memory_space<vmem>>, vector<16xi32>,
    %get3A_1426 = arith.constant 7 : i32
    %get3A_1427 = arith.constant 1 : i32
    %get3A_1428 = arith.index_cast %get3A_1426 : i32 to index
    %get3A_1429 = arith.index_cast %get3A_1427 : i32 to index
    %get3A_1430 = arith.constant 0 : index
    %get3A_1431 = tpu.vector_load %arg5[%get3A_1428, %get3A_1429, %get3A_1430] {strides = array<i32>} : memref<8x2x128xi32, #tpu.memory_space<vmem>>, vector<16xi32>,
    %mul3A_1432 = arith.constant 16 : i32
    %mul3A_1433 = vector.broadcast %mul3A_1432 : i32 to vector<16xi32>
    %mul3A_1434 = arith.muli %get3A_1425, %mul3A_1433 : vector<16xi32>
    %add3A_1435 = arith.addi %mul3A_1434, %get3A_1431 : vector<16xi32>
    %gather3A_1436 = tpu.vector_load_idx %arg6[%add3A_1435] : memref<160xf32, #tpu.memory_space<vmem>>[vector<16xi32>], vector<16xf32>,
    %swap3A_1437 = arith.constant 896 : index
    %swap3A_1438 = tpu.vector_load %arg7[%swap3A_1437] {strides = array<i32>} : memref<1024xf32, #tpu.memory_space<vmem>>, vector<16xf32>,
    tpu.vector_store %arg7[%swap3A_1437], %gather3A_1436 {strides = array<i32>} : memref<1024xf32, #tpu.memory_space<vmem>>, vector<16xf32>,
    %get3A_1439 = arith.constant 7 : i32
    %get3A_1440 = arith.constant 0 : i32
    %get3A_1441 = arith.index_cast %get3A_1439 : i32 to index
    %get3A_1442 = arith.index_cast %get3A_1440 : i32 to index
    %get3A_1443 = arith.constant 16 : index
    %get3A_1444 = tpu.vector_load %arg5[%get3A_1441, %get3A_1442, %get3A_1443] {strides = array<i32>} : memref<8x2x128xi32, #tpu.memory_space<vmem>>, vector<16xi32>,
    %get3A_1445 = arith.constant 7 : i32
    %get3A_1446 = arith.constant 1 : i32
    %get3A_1447 = arith.index_cast %get3A_1445 : i32 to index
    %get3A_1448 = arith.index_cast %get3A_1446 : i32 to index
    %get3A_1449 = arith.constant 16 : index
    %get3A_1450 = tpu.vector_load %arg5[%get3A_1447, %get3A_1448, %get3A_1449] {strides = array<i32>} : memref<8x2x128xi32, #tpu.memory_space<vmem>>, vector<16xi32>,
    %mul3A_1451 = arith.constant 16 : i32
    %mul3A_1452 = vector.broadcast %mul3A_1451 : i32 to vector<16xi32>
    %mul3A_1453 = arith.muli %get3A_1444, %mul3A_1452 : vector<16xi32>
    %add3A_1454 = arith.addi %mul3A_1453, %get3A_1450 : vector<16xi32>
    %gather3A_1455 = tpu.vector_load_idx %arg6[%add3A_1454] : memref<160xf32, #tpu.memory_space<vmem>>[vector<16xi32>], vector<16xf32>,
    %swap3A_1456 = arith.constant 912 : index
    %swap3A_1457 = tpu.vector_load %arg7[%swap3A_1456] {strides = array<i32>} : memref<1024xf32, #tpu.memory_space<vmem>>, vector<16xf32>,
    tpu.vector_store %arg7[%swap3A_1456], %gather3A_1455 {strides = array<i32>} : memref<1024xf32, #tpu.memory_space<vmem>>, vector<16xf32>,
    %get3A_1458 = arith.constant 7 : i32
    %get3A_1459 = arith.constant 0 : i32
    %get3A_1460 = arith.index_cast %get3A_1458 : i32 to index
    %get3A_1461 = arith.index_cast %get3A_1459 : i32 to index
    %get3A_1462 = arith.constant 32 : index
    %get3A_1463 = tpu.vector_load %arg5[%get3A_1460, %get3A_1461, %get3A_1462] {strides = array<i32>} : memref<8x2x128xi32, #tpu.memory_space<vmem>>, vector<16xi32>,
    %get3A_1464 = arith.constant 7 : i32
    %get3A_1465 = arith.constant 1 : i32
    %get3A_1466 = arith.index_cast %get3A_1464 : i32 to index
    %get3A_1467 = arith.index_cast %get3A_1465 : i32 to index
    %get3A_1468 = arith.constant 32 : index
    %get3A_1469 = tpu.vector_load %arg5[%get3A_1466, %get3A_1467, %get3A_1468] {strides = array<i32>} : memref<8x2x128xi32, #tpu.memory_space<vmem>>, vector<16xi32>,
    %mul3A_1470 = arith.constant 16 : i32
    %mul3A_1471 = vector.broadcast %mul3A_1470 : i32 to vector<16xi32>
    %mul3A_1472 = arith.muli %get3A_1463, %mul3A_1471 : vector<16xi32>
    %add3A_1473 = arith.addi %mul3A_1472, %get3A_1469 : vector<16xi32>
    %gather3A_1474 = tpu.vector_load_idx %arg6[%add3A_1473] : memref<160xf32, #tpu.memory_space<vmem>>[vector<16xi32>], vector<16xf32>,
    %swap3A_1475 = arith.constant 928 : index
    %swap3A_1476 = tpu.vector_load %arg7[%swap3A_1475] {strides = array<i32>} : memref<1024xf32, #tpu.memory_space<vmem>>, vector<16xf32>,
    tpu.vector_store %arg7[%swap3A_1475], %gather3A_1474 {strides = array<i32>} : memref<1024xf32, #tpu.memory_space<vmem>>, vector<16xf32>,
    %get3A_1477 = arith.constant 7 : i32
    %get3A_1478 = arith.constant 0 : i32
    %get3A_1479 = arith.index_cast %get3A_1477 : i32 to index
    %get3A_1480 = arith.index_cast %get3A_1478 : i32 to index
    %get3A_1481 = arith.constant 48 : index
    %get3A_1482 = tpu.vector_load %arg5[%get3A_1479, %get3A_1480, %get3A_1481] {strides = array<i32>} : memref<8x2x128xi32, #tpu.memory_space<vmem>>, vector<16xi32>,
    %get3A_1483 = arith.constant 7 : i32
    %get3A_1484 = arith.constant 1 : i32
    %get3A_1485 = arith.index_cast %get3A_1483 : i32 to index
    %get3A_1486 = arith.index_cast %get3A_1484 : i32 to index
    %get3A_1487 = arith.constant 48 : index
    %get3A_1488 = tpu.vector_load %arg5[%get3A_1485, %get3A_1486, %get3A_1487] {strides = array<i32>} : memref<8x2x128xi32, #tpu.memory_space<vmem>>, vector<16xi32>,
    %mul3A_1489 = arith.constant 16 : i32
    %mul3A_1490 = vector.broadcast %mul3A_1489 : i32 to vector<16xi32>
    %mul3A_1491 = arith.muli %get3A_1482, %mul3A_1490 : vector<16xi32>
    %add3A_1492 = arith.addi %mul3A_1491, %get3A_1488 : vector<16xi32>
    %gather3A_1493 = tpu.vector_load_idx %arg6[%add3A_1492] : memref<160xf32, #tpu.memory_space<vmem>>[vector<16xi32>], vector<16xf32>,
    %swap3A_1494 = arith.constant 944 : index
    %swap3A_1495 = tpu.vector_load %arg7[%swap3A_1494] {strides = array<i32>} : memref<1024xf32, #tpu.memory_space<vmem>>, vector<16xf32>,
    tpu.vector_store %arg7[%swap3A_1494], %gather3A_1493 {strides = array<i32>} : memref<1024xf32, #tpu.memory_space<vmem>>, vector<16xf32>,
    %get3A_1496 = arith.constant 7 : i32
    %get3A_1497 = arith.constant 0 : i32
    %get3A_1498 = arith.index_cast %get3A_1496 : i32 to index
    %get3A_1499 = arith.index_cast %get3A_1497 : i32 to index
    %get3A_1500 = arith.constant 64 : index
    %get3A_1501 = tpu.vector_load %arg5[%get3A_1498, %get3A_1499, %get3A_1500] {strides = array<i32>} : memref<8x2x128xi32, #tpu.memory_space<vmem>>, vector<16xi32>,
    %get3A_1502 = arith.constant 7 : i32
    %get3A_1503 = arith.constant 1 : i32
    %get3A_1504 = arith.index_cast %get3A_1502 : i32 to index
    %get3A_1505 = arith.index_cast %get3A_1503 : i32 to index
    %get3A_1506 = arith.constant 64 : index
    %get3A_1507 = tpu.vector_load %arg5[%get3A_1504, %get3A_1505, %get3A_1506] {strides = array<i32>} : memref<8x2x128xi32, #tpu.memory_space<vmem>>, vector<16xi32>,
    %mul3A_1508 = arith.constant 16 : i32
    %mul3A_1509 = vector.broadcast %mul3A_1508 : i32 to vector<16xi32>
    %mul3A_1510 = arith.muli %get3A_1501, %mul3A_1509 : vector<16xi32>
    %add3A_1511 = arith.addi %mul3A_1510, %get3A_1507 : vector<16xi32>
    %gather3A_1512 = tpu.vector_load_idx %arg6[%add3A_1511] : memref<160xf32, #tpu.memory_space<vmem>>[vector<16xi32>], vector<16xf32>,
    %swap3A_1513 = arith.constant 960 : index
    %swap3A_1514 = tpu.vector_load %arg7[%swap3A_1513] {strides = array<i32>} : memref<1024xf32, #tpu.memory_space<vmem>>, vector<16xf32>,
    tpu.vector_store %arg7[%swap3A_1513], %gather3A_1512 {strides = array<i32>} : memref<1024xf32, #tpu.memory_space<vmem>>, vector<16xf32>,
    %get3A_1515 = arith.constant 7 : i32
    %get3A_1516 = arith.constant 0 : i32
    %get3A_1517 = arith.index_cast %get3A_1515 : i32 to index
    %get3A_1518 = arith.index_cast %get3A_1516 : i32 to index
    %get3A_1519 = arith.constant 80 : index
    %get3A_1520 = tpu.vector_load %arg5[%get3A_1517, %get3A_1518, %get3A_1519] {strides = array<i32>} : memref<8x2x128xi32, #tpu.memory_space<vmem>>, vector<16xi32>,
    %get3A_1521 = arith.constant 7 : i32
    %get3A_1522 = arith.constant 1 : i32
    %get3A_1523 = arith.index_cast %get3A_1521 : i32 to index
    %get3A_1524 = arith.index_cast %get3A_1522 : i32 to index
    %get3A_1525 = arith.constant 80 : index
    %get3A_1526 = tpu.vector_load %arg5[%get3A_1523, %get3A_1524, %get3A_1525] {strides = array<i32>} : memref<8x2x128xi32, #tpu.memory_space<vmem>>, vector<16xi32>,
    %mul3A_1527 = arith.constant 16 : i32
    %mul3A_1528 = vector.broadcast %mul3A_1527 : i32 to vector<16xi32>
    %mul3A_1529 = arith.muli %get3A_1520, %mul3A_1528 : vector<16xi32>
    %add3A_1530 = arith.addi %mul3A_1529, %get3A_1526 : vector<16xi32>
    %gather3A_1531 = tpu.vector_load_idx %arg6[%add3A_1530] : memref<160xf32, #tpu.memory_space<vmem>>[vector<16xi32>], vector<16xf32>,
    %swap3A_1532 = arith.constant 976 : index
    %swap3A_1533 = tpu.vector_load %arg7[%swap3A_1532] {strides = array<i32>} : memref<1024xf32, #tpu.memory_space<vmem>>, vector<16xf32>,
    tpu.vector_store %arg7[%swap3A_1532], %gather3A_1531 {strides = array<i32>} : memref<1024xf32, #tpu.memory_space<vmem>>, vector<16xf32>,
    %get3A_1534 = arith.constant 7 : i32
    %get3A_1535 = arith.constant 0 : i32
    %get3A_1536 = arith.index_cast %get3A_1534 : i32 to index
    %get3A_1537 = arith.index_cast %get3A_1535 : i32 to index
    %get3A_1538 = arith.constant 96 : index
    %get3A_1539 = tpu.vector_load %arg5[%get3A_1536, %get3A_1537, %get3A_1538] {strides = array<i32>} : memref<8x2x128xi32, #tpu.memory_space<vmem>>, vector<16xi32>,
    %get3A_1540 = arith.constant 7 : i32
    %get3A_1541 = arith.constant 1 : i32
    %get3A_1542 = arith.index_cast %get3A_1540 : i32 to index
    %get3A_1543 = arith.index_cast %get3A_1541 : i32 to index
    %get3A_1544 = arith.constant 96 : index
    %get3A_1545 = tpu.vector_load %arg5[%get3A_1542, %get3A_1543, %get3A_1544] {strides = array<i32>} : memref<8x2x128xi32, #tpu.memory_space<vmem>>, vector<16xi32>,
    %mul3A_1546 = arith.constant 16 : i32
    %mul3A_1547 = vector.broadcast %mul3A_1546 : i32 to vector<16xi32>
    %mul3A_1548 = arith.muli %get3A_1539, %mul3A_1547 : vector<16xi32>
    %add3A_1549 = arith.addi %mul3A_1548, %get3A_1545 : vector<16xi32>
    %gather3A_1550 = tpu.vector_load_idx %arg6[%add3A_1549] : memref<160xf32, #tpu.memory_space<vmem>>[vector<16xi32>], vector<16xf32>,
    %swap3A_1551 = arith.constant 992 : index
    %swap3A_1552 = tpu.vector_load %arg7[%swap3A_1551] {strides = array<i32>} : memref<1024xf32, #tpu.memory_space<vmem>>, vector<16xf32>,
    tpu.vector_store %arg7[%swap3A_1551], %gather3A_1550 {strides = array<i32>} : memref<1024xf32, #tpu.memory_space<vmem>>, vector<16xf32>,
    %get3A_1553 = arith.constant 7 : i32
    %get3A_1554 = arith.constant 0 : i32
    %get3A_1555 = arith.index_cast %get3A_1553 : i32 to index
    %get3A_1556 = arith.index_cast %get3A_1554 : i32 to index
    %get3A_1557 = arith.constant 112 : index
    %get3A_1558 = tpu.vector_load %arg5[%get3A_1555, %get3A_1556, %get3A_1557] {strides = array<i32>} : memref<8x2x128xi32, #tpu.memory_space<vmem>>, vector<16xi32>,
    %get3A_1559 = arith.constant 7 : i32
    %get3A_1560 = arith.constant 1 : i32
    %get3A_1561 = arith.index_cast %get3A_1559 : i32 to index
    %get3A_1562 = arith.index_cast %get3A_1560 : i32 to index
    %get3A_1563 = arith.constant 112 : index
    %get3A_1564 = tpu.vector_load %arg5[%get3A_1561, %get3A_1562, %get3A_1563] {strides = array<i32>} : memref<8x2x128xi32, #tpu.memory_space<vmem>>, vector<16xi32>,
    %mul3A_1565 = arith.constant 16 : i32
    %mul3A_1566 = vector.broadcast %mul3A_1565 : i32 to vector<16xi32>
    %mul3A_1567 = arith.muli %get3A_1558, %mul3A_1566 : vector<16xi32>
    %add3A_1568 = arith.addi %mul3A_1567, %get3A_1564 : vector<16xi32>
    %gather3A_1569 = tpu.vector_load_idx %arg6[%add3A_1568] : memref<160xf32, #tpu.memory_space<vmem>>[vector<16xi32>], vector<16xf32>,
    %swap3A_1570 = arith.constant 1008 : index
    %swap3A_1571 = tpu.vector_load %arg7[%swap3A_1570] {strides = array<i32>} : memref<1024xf32, #tpu.memory_space<vmem>>, vector<16xf32>,
    tpu.vector_store %arg7[%swap3A_1570], %gather3A_1569 {strides = array<i32>} : memref<1024xf32, #tpu.memory_space<vmem>>, vector<16xf32>,
    %mul3A_1572 = arith.constant 1024 : i32
    %mul3A_1573 = arith.muli %add3A, %mul3A_1572 : i32
    %add3A_1574 = arith.constant 896 : i32
    %add3A_1575 = arith.addi %mul3A_1573, %add3A_1574 : i32
    %dma_start3A_1576 = arith.constant 896 : i32
    %dma_start3A_1577 = tpu.memref_slice %arg7[%dma_start3A_1576] : memref<1024xf32, #tpu.memory_space<vmem>> -> memref<128xf32, #tpu.memory_space<vmem>>
    %dma_start3A_1578 = tpu.memref_slice %arg4[%add3A_1575] : memref<16384xf32, #tpu.memory_space<hbm>> -> memref<128xf32, #tpu.memory_space<hbm>>
    %dma_start3A_1579 = tpu.memref_slice %arg4[%add3A_1575] : memref<16384xf32, #tpu.memory_space<hbm>> -> memref<128xf32, #tpu.memory_space<hbm>>
    %dma_start3A_1580 = arith.constant 896 : i32
    %dma_start3A_1581 = tpu.memref_slice %arg7[%dma_start3A_1580] : memref<1024xf32, #tpu.memory_space<vmem>> -> memref<128xf32, #tpu.memory_space<vmem>>
    tpu.enqueue_dma source(%dma_start3A_1581 : memref<128xf32, #tpu.memory_space<vmem>>) target(%dma_start3A_1579 : memref<128xf32, #tpu.memory_space<hbm>>) target_semaphore(%arg10 : memref<!tpu.dma_semaphore, #tpu.memory_space<semaphore_mem>>)
    %dma_wait3A_1582 = arith.constant 0 : i32
    %dma_wait3A_1583 = tpu.memref_slice %arg7[%dma_wait3A_1582] : memref<1024xf32, #tpu.memory_space<vmem>> -> memref<128xf32, #tpu.memory_space<vmem>>
    %dma_wait3A_1584 = tpu.memref_slice %arg4[%add3A_322] : memref<16384xf32, #tpu.memory_space<hbm>> -> memref<128xf32, #tpu.memory_space<hbm>>
    %dma_wait3A_1585 = tpu.memref_slice %arg4[%add3A_322] : memref<16384xf32, #tpu.memory_space<hbm>> -> memref<128xf32, #tpu.memory_space<hbm>>
    %dma_wait3A_1586 = arith.constant 0 : i32
    %dma_wait3A_1587 = tpu.memref_slice %arg7[%dma_wait3A_1586] : memref<1024xf32, #tpu.memory_space<vmem>> -> memref<128xf32, #tpu.memory_space<vmem>>
    tpu.wait_dma2 semaphore(%arg10 : memref<!tpu.dma_semaphore, #tpu.memory_space<semaphore_mem>>) src(%dma_wait3A_1587 : memref<128xf32, #tpu.memory_space<vmem>>) dst(%dma_wait3A_1585 : memref<128xf32, #tpu.memory_space<hbm>>)
    %dma_wait3A_1588 = arith.constant 128 : i32
    %dma_wait3A_1589 = tpu.memref_slice %arg7[%dma_wait3A_1588] : memref<1024xf32, #tpu.memory_space<vmem>> -> memref<128xf32, #tpu.memory_space<vmem>>
    %dma_wait3A_1590 = tpu.memref_slice %arg4[%add3A_501] : memref<16384xf32, #tpu.memory_space<hbm>> -> memref<128xf32, #tpu.memory_space<hbm>>
    %dma_wait3A_1591 = tpu.memref_slice %arg4[%add3A_501] : memref<16384xf32, #tpu.memory_space<hbm>> -> memref<128xf32, #tpu.memory_space<hbm>>
    %dma_wait3A_1592 = arith.constant 128 : i32
    %dma_wait3A_1593 = tpu.memref_slice %arg7[%dma_wait3A_1592] : memref<1024xf32, #tpu.memory_space<vmem>> -> memref<128xf32, #tpu.memory_space<vmem>>
    tpu.wait_dma2 semaphore(%arg10 : memref<!tpu.dma_semaphore, #tpu.memory_space<semaphore_mem>>) src(%dma_wait3A_1593 : memref<128xf32, #tpu.memory_space<vmem>>) dst(%dma_wait3A_1591 : memref<128xf32, #tpu.memory_space<hbm>>)
    %dma_wait3A_1594 = arith.constant 256 : i32
    %dma_wait3A_1595 = tpu.memref_slice %arg7[%dma_wait3A_1594] : memref<1024xf32, #tpu.memory_space<vmem>> -> memref<128xf32, #tpu.memory_space<vmem>>
    %dma_wait3A_1596 = tpu.memref_slice %arg4[%add3A_680] : memref<16384xf32, #tpu.memory_space<hbm>> -> memref<128xf32, #tpu.memory_space<hbm>>
    %dma_wait3A_1597 = tpu.memref_slice %arg4[%add3A_680] : memref<16384xf32, #tpu.memory_space<hbm>> -> memref<128xf32, #tpu.memory_space<hbm>>
    %dma_wait3A_1598 = arith.constant 256 : i32
    %dma_wait3A_1599 = tpu.memref_slice %arg7[%dma_wait3A_1598] : memref<1024xf32, #tpu.memory_space<vmem>> -> memref<128xf32, #tpu.memory_space<vmem>>
    tpu.wait_dma2 semaphore(%arg10 : memref<!tpu.dma_semaphore, #tpu.memory_space<semaphore_mem>>) src(%dma_wait3A_1599 : memref<128xf32, #tpu.memory_space<vmem>>) dst(%dma_wait3A_1597 : memref<128xf32, #tpu.memory_space<hbm>>)
    %dma_wait3A_1600 = arith.constant 384 : i32
    %dma_wait3A_1601 = tpu.memref_slice %arg7[%dma_wait3A_1600] : memref<1024xf32, #tpu.memory_space<vmem>> -> memref<128xf32, #tpu.memory_space<vmem>>
    %dma_wait3A_1602 = tpu.memref_slice %arg4[%add3A_859] : memref<16384xf32, #tpu.memory_space<hbm>> -> memref<128xf32, #tpu.memory_space<hbm>>
    %dma_wait3A_1603 = tpu.memref_slice %arg4[%add3A_859] : memref<16384xf32, #tpu.memory_space<hbm>> -> memref<128xf32, #tpu.memory_space<hbm>>
    %dma_wait3A_1604 = arith.constant 384 : i32
    %dma_wait3A_1605 = tpu.memref_slice %arg7[%dma_wait3A_1604] : memref<1024xf32, #tpu.memory_space<vmem>> -> memref<128xf32, #tpu.memory_space<vmem>>
    tpu.wait_dma2 semaphore(%arg10 : memref<!tpu.dma_semaphore, #tpu.memory_space<semaphore_mem>>) src(%dma_wait3A_1605 : memref<128xf32, #tpu.memory_space<vmem>>) dst(%dma_wait3A_1603 : memref<128xf32, #tpu.memory_space<hbm>>)
    %dma_wait3A_1606 = arith.constant 512 : i32
    %dma_wait3A_1607 = tpu.memref_slice %arg7[%dma_wait3A_1606] : memref<1024xf32, #tpu.memory_space<vmem>> -> memref<128xf32, #tpu.memory_space<vmem>>
    %dma_wait3A_1608 = tpu.memref_slice %arg4[%add3A_1038] : memref<16384xf32, #tpu.memory_space<hbm>> -> memref<128xf32, #tpu.memory_space<hbm>>
    %dma_wait3A_1609 = tpu.memref_slice %arg4[%add3A_1038] : memref<16384xf32, #tpu.memory_space<hbm>> -> memref<128xf32, #tpu.memory_space<hbm>>
    %dma_wait3A_1610 = arith.constant 512 : i32
    %dma_wait3A_1611 = tpu.memref_slice %arg7[%dma_wait3A_1610] : memref<1024xf32, #tpu.memory_space<vmem>> -> memref<128xf32, #tpu.memory_space<vmem>>
    tpu.wait_dma2 semaphore(%arg10 : memref<!tpu.dma_semaphore, #tpu.memory_space<semaphore_mem>>) src(%dma_wait3A_1611 : memref<128xf32, #tpu.memory_space<vmem>>) dst(%dma_wait3A_1609 : memref<128xf32, #tpu.memory_space<hbm>>)
    %dma_wait3A_1612 = arith.constant 640 : i32
    %dma_wait3A_1613 = tpu.memref_slice %arg7[%dma_wait3A_1612] : memref<1024xf32, #tpu.memory_space<vmem>> -> memref<128xf32, #tpu.memory_space<vmem>>
    %dma_wait3A_1614 = tpu.memref_slice %arg4[%add3A_1217] : memref<16384xf32, #tpu.memory_space<hbm>> -> memref<128xf32, #tpu.memory_space<hbm>>
    %dma_wait3A_1615 = tpu.memref_slice %arg4[%add3A_1217] : memref<16384xf32, #tpu.memory_space<hbm>> -> memref<128xf32, #tpu.memory_space<hbm>>
    %dma_wait3A_1616 = arith.constant 640 : i32
    %dma_wait3A_1617 = tpu.memref_slice %arg7[%dma_wait3A_1616] : memref<1024xf32, #tpu.memory_space<vmem>> -> memref<128xf32, #tpu.memory_space<vmem>>
    tpu.wait_dma2 semaphore(%arg10 : memref<!tpu.dma_semaphore, #tpu.memory_space<semaphore_mem>>) src(%dma_wait3A_1617 : memref<128xf32, #tpu.memory_space<vmem>>) dst(%dma_wait3A_1615 : memref<128xf32, #tpu.memory_space<hbm>>)
    %dma_wait3A_1618 = arith.constant 768 : i32
    %dma_wait3A_1619 = tpu.memref_slice %arg7[%dma_wait3A_1618] : memref<1024xf32, #tpu.memory_space<vmem>> -> memref<128xf32, #tpu.memory_space<vmem>>
    %dma_wait3A_1620 = tpu.memref_slice %arg4[%add3A_1396] : memref<16384xf32, #tpu.memory_space<hbm>> -> memref<128xf32, #tpu.memory_space<hbm>>
    %dma_wait3A_1621 = tpu.memref_slice %arg4[%add3A_1396] : memref<16384xf32, #tpu.memory_space<hbm>> -> memref<128xf32, #tpu.memory_space<hbm>>
    %dma_wait3A_1622 = arith.constant 768 : i32
    %dma_wait3A_1623 = tpu.memref_slice %arg7[%dma_wait3A_1622] : memref<1024xf32, #tpu.memory_space<vmem>> -> memref<128xf32, #tpu.memory_space<vmem>>
    tpu.wait_dma2 semaphore(%arg10 : memref<!tpu.dma_semaphore, #tpu.memory_space<semaphore_mem>>) src(%dma_wait3A_1623 : memref<128xf32, #tpu.memory_space<vmem>>) dst(%dma_wait3A_1621 : memref<128xf32, #tpu.memory_space<hbm>>)
    %dma_wait3A_1624 = arith.constant 896 : i32
    %dma_wait3A_1625 = tpu.memref_slice %arg7[%dma_wait3A_1624] : memref<1024xf32, #tpu.memory_space<vmem>> -> memref<128xf32, #tpu.memory_space<vmem>>
    %dma_wait3A_1626 = tpu.memref_slice %arg4[%add3A_1575] : memref<16384xf32, #tpu.memory_space<hbm>> -> memref<128xf32, #tpu.memory_space<hbm>>
    %dma_wait3A_1627 = tpu.memref_slice %arg4[%add3A_1575] : memref<16384xf32, #tpu.memory_space<hbm>> -> memref<128xf32, #tpu.memory_space<hbm>>
    %dma_wait3A_1628 = arith.constant 896 : i32
    %dma_wait3A_1629 = tpu.memref_slice %arg7[%dma_wait3A_1628] : memref<1024xf32, #tpu.memory_space<vmem>> -> memref<128xf32, #tpu.memory_space<vmem>>
    tpu.wait_dma2 semaphore(%arg10 : memref<!tpu.dma_semaphore, #tpu.memory_space<semaphore_mem>>) src(%dma_wait3A_1629 : memref<128xf32, #tpu.memory_space<vmem>>) dst(%dma_wait3A_1627 : memref<128xf32, #tpu.memory_space<hbm>>)
    return
  }
}

module attributes {stable_mosaic.version = 14 : i64} {
  func.func @_table_kernel(%arg0: memref<10x128xf32, #tpu.memory_space<vmem>>, %arg1: memref<10x128xf32, #tpu.memory_space<vmem>>, %arg2: memref<256x128xf32, #tpu.memory_space<vmem>>, %arg3: memref<1x128xf32, #tpu.memory_space<vmem>>, %arg4: memref<1x128xf32, #tpu.memory_space<vmem>>, %arg5: memref<1x1xf32, #tpu.memory_space<vmem>>, %arg6: memref<160xf32, #tpu.memory_space<vmem>>) attributes {dimension_semantics = [], scalar_prefetch = 0 : i64, scratch_operands = 0 : i64, tpu.core_type = #tpu.core_type<tc>} {
    %get3A = arith.constant 0 : index
    %get3A_0 = arith.constant 0 : index
    %get3A_1 = vector.load %arg0[%get3A, %get3A_0] : memref<10x128xf32, #tpu.memory_space<vmem>>, vector<10x128xf32>
    %get3A_2 = arith.constant 0 : index
    %get3A_3 = arith.constant 0 : index
    %get3A_4 = vector.load %arg2[%get3A_2, %get3A_3] : memref<256x128xf32, #tpu.memory_space<vmem>>, vector<128x128xf32>
    %dot_general3A = arith.constant dense<0.000000e+00> : vector<10x128xf32>
    %dot_general3A_5 = tpu.matmul %get3A_1, %get3A_4, %dot_general3A {dimension_numbers = #tpu.dot_dimension_numbers<[1], [0], [0], [1], [0, 0, 1, 1], [], []>, transpose_lhs_hint = false} : vector<10x128xf32>, vector<128x128xf32>, vector<10x128xf32> -> vector<10x128xf32>
    %get3A_6 = arith.constant 0 : index
    %get3A_7 = arith.constant 0 : index
    %get3A_8 = vector.load %arg1[%get3A_6, %get3A_7] : memref<10x128xf32, #tpu.memory_space<vmem>>, vector<10x128xf32>
    %get3A_9 = arith.constant 128 : index
    %get3A_10 = arith.constant 0 : index
    %get3A_11 = vector.load %arg2[%get3A_9, %get3A_10] : memref<256x128xf32, #tpu.memory_space<vmem>>, vector<128x128xf32>
    %dot_general3A_12 = arith.constant dense<0.000000e+00> : vector<10x128xf32>
    %dot_general3A_13 = tpu.matmul %get3A_8, %get3A_11, %dot_general3A_12 {dimension_numbers = #tpu.dot_dimension_numbers<[1], [0], [0], [1], [0, 0, 1, 1], [], []>, transpose_lhs_hint = false} : vector<10x128xf32>, vector<128x128xf32>, vector<10x128xf32> -> vector<10x128xf32>
    %broadcast_in_dim3A = arith.constant 0.000000e+00 : f32
    %broadcast_in_dim3A_14 = vector.broadcast %broadcast_in_dim3A : f32 to vector<6x128xf32>
    %concatenate3A = tpu.concatenate %dot_general3A_13, %broadcast_in_dim3A_14 in 0 : vector<10x128xf32>, vector<6x128xf32> -> vector<16x128xf32>
    %broadcast_in_dim3A_15 = vector.shape_cast %dot_general3A_5 : vector<10x128xf32> to vector<10x1x128xf32>
    %broadcast_in_dim3A_16 = vector.shape_cast %concatenate3A : vector<16x128xf32> to vector<1x16x128xf32>
    %add3A = vector.broadcast %broadcast_in_dim3A_15 : vector<10x1x128xf32> to vector<10x16x128xf32>
    %add3A_17 = vector.broadcast %broadcast_in_dim3A_16 : vector<1x16x128xf32> to vector<10x16x128xf32>
    %add3A_18 = arith.addf %add3A, %add3A_17 : vector<10x16x128xf32>
    %get3A_19 = arith.constant 0 : index
    %get3A_20 = arith.constant 0 : index
    %get3A_21 = vector.load %arg3[%get3A_19, %get3A_20] : memref<1x128xf32, #tpu.memory_space<vmem>>, vector<1x128xf32>
    %broadcast_in_dim3A_22 = vector.shape_cast %get3A_21 : vector<1x128xf32> to vector<1x1x128xf32>
    %add3A_23 = vector.broadcast %broadcast_in_dim3A_22 : vector<1x1x128xf32> to vector<10x16x128xf32>
    %add3A_24 = arith.addf %add3A_18, %add3A_23 : vector<10x16x128xf32>
    %max3A = arith.constant 0.000000e+00 : f32
    %max3A_25 = vector.broadcast %max3A : f32 to vector<10x16x128xf32>
    %max3A_26 = arith.maximumf %add3A_24, %max3A_25 : vector<10x16x128xf32>
    %reshape3A = vector.shape_cast %max3A_26 : vector<10x16x128xf32> to vector<160x128xf32>
    %get3A_27 = arith.constant 0 : index
    %get3A_28 = arith.constant 0 : index
    %get3A_29 = vector.load %arg4[%get3A_27, %get3A_28] : memref<1x128xf32, #tpu.memory_space<vmem>>, vector<1x128xf32>
    %mul3A = vector.broadcast %get3A_29 : vector<1x128xf32> to vector<160x128xf32>
    %mul3A_30 = arith.mulf %reshape3A, %mul3A : vector<160x128xf32>
    %reduce_sum3A = arith.constant dense<0.000000e+00> : vector<160xf32>
    %reduce_sum3A_31 = vector.multi_reduction <add>, %mul3A_30, %reduce_sum3A [1] : vector<160x128xf32> to vector<160xf32>
    %get3A_32 = arith.constant 0 : index
    %get3A_33 = arith.constant 0 : index
    %get3A_34 = vector.load %arg5[%get3A_32, %get3A_33] : memref<1x1xf32, #tpu.memory_space<vmem>>, vector<1x1xf32>
    %get3A_35 = vector.extract %get3A_34[0, 0] : f32 from vector<1x1xf32>
    %add3A_36 = vector.broadcast %get3A_35 : f32 to vector<160xf32>
    %add3A_37 = arith.addf %reduce_sum3A_31, %add3A_36 : vector<160xf32>
    %swap3A = arith.constant 0 : index
    %swap3A_38 = vector.load %arg6[%swap3A] : memref<160xf32, #tpu.memory_space<vmem>>, vector<160xf32>
    tpu.vector_store %arg6[%swap3A], %add3A_37 {strides = array<i32>} : memref<160xf32, #tpu.memory_space<vmem>>, vector<160xf32>,
    return
  }
}

</mosaic_0001>

<sc_bundles>
// kernel: kernel.4.cloned.1.call-start
scs
__scs_entry_jumppad:
0x0: {  	(pc) =	sbr.rel $0x88, $3  }
0x1: {  	(tag) =	ssettag $0x0;
	lr =	simm.s32 $0x1  }
0x2: {  	[smem:$0x3F9A] =	sst lr;
	_ =	strace $0xD0000000  }
0x3: {  	_ = 	snop  }
0x4: {  	_ = 	snop  }
0x5: {  	_ = 	snop  }
0x6: {  	_ = 	snop  }
0x7: {  	_ = 	snop  }
__scs_overlays_trampoline_lowered:
0x8: {  	[smem:$0x3FA9] =	sst s0  }
0x9: {  	[smem:$0x3FAA] =	sst s1  }
0xa: {  	[smem:$0x3FAB] =	sst s2  }
0xb: {  	[smem:$0x3FAC] =	sst s3  }
0xc: {  	[smem:$0x3FAD] =	sst s4  }
0xd: {  	[smem:$0x3FAE] =	sst s5  }
0xe: {  	[smem:$0x3FAF] =	sst s6  }
0xf: {  	[smem:$0x3FB0] =	sst s7  }
0x10: {  	[smem:$0x3FB1] =	sst s8  }
0x11: {  	[smem:$0x3FB2] =	sst s9;
	s0 =	simm.s32 @!p0 $0x0  }
0x12: {  	s1 =	sld [smem:$0x3F98];
	s0 =	simm.s32 @p0 $0x1  }
0x13: {  	[smem:$0x3FB3] =	sst s0;
	s0 =	simm.s32 @!p1 $0x0  }
0x14: {  	s2 =	sld [smem:$0x3F97];
	s0 =	simm.s32 @p1 $0x1  }
0x15: {  	[smem:$0x3FB4] =	sst s0;
	s0 =	simm.s32 @!p2 $0x0  }
0x16: {  	s3 =	sld [smem:$0x3FDB];
	s0 =	simm.s32 @p2 $0x1  }
0x17: {  	s4 =	simm.s32 $0x1BF5;
	[smem:$0x3FB6] =	sst s0  }
0x18: {  	s0 =	sld [smem:$0x3F99];
	_ =	swait.ge [sflag:s4], $0x0  }
0x19: {  	s7 =	sld [smem:$0x3F9A]  }
0x1a: {  	s8 =	sadd.s32 $0xFFFFE003, lr  }
0x1b: {  	s9 =	sadd.s32 $0xFFFFFEF7, lr;
	s5 =	simm.s32 $0xFFFFFFFF;
	p2 =	slt.u32 s8, $0xFFFFF086  }
0x1c: {  	p1 =	slt.u32 s9, $0xF7A;
	s5 =	simm.s32 @!p2 $0x0  }
0x1d: {  	s5 =	simm.s32 @p1 $0x1;
	p0 =	seq.s32 s7, s2  }
0x1e: {  	s7 =	smul.u32 @!p0 $0xF7A, s2;
	p2 =	seq.s32 @!p0 s5, $0x0  }
0x1f: {  	s9 =	smul.u32 $0xF7A, s1;
	s8 =	simm.s32 @!p0 $0x1BF5;
	p2 =	por !p2, p0  }
0x20: {  	[sflag:s8] =	ssyncset.s32 @!p0 $0xFFFFF086;
	s6 =	sadd.s32 @!p0 s3, s7;
	s7 =	simm.s32 @!p0 $0x108  }
0x21: {  	s3 =	sadd.s32 s3, s9;
	s6 =	sadd.s32 @!p0 $0x88, s6;
	s7 =	simm.s32 @p2 $0x1082  }
0x22: {  	[simem:s7], [sflag:s8] =	dma.local @!p0 [hbm:s6], $0xF7A  }
0x23: {  	s9 =	sor.u32 $0xD0000000, s2;
	s6 =	simm.s32 $0x108;
	_ =	swait.ge @!p0 [sflag:s8], $0x0  }
0x24: {  	s3 =	sadd.s32 $0x88, s3;
	s6 =	simm.s32 @!p1 $0x1082;
	[sflag:s4] =	ssyncset.s32 $0xFFFFF086  }
0x25: {  	[simem:s6], [sflag:s4] =	dma.local [hbm:s3], $0xF7A  }
0x26: {  	[smem:$0x3F9A] =	sst s1;
	(tag) =	ssettag s2;
	_ =	strace s9  }
0x27: {  	s1 =	sld [smem:$0x3FAA]  }
0x28: {  	s2 =	sld [smem:$0x3FAB]  }
0x29: {  	s4 =	sld [smem:$0x3FAD]  }
0x2a: {  	p0 =	seq.s32 s5, $0x0;
	s5 =	sld [smem:$0x3FAE]  }
0x2b: {  	s6 =	sld [smem:$0x3FAF]  }
0x2c: {  	s7 =	sld [smem:$0x3FB0]  }
0x2d: {  	s3 =	simm.s32 $0x108;
	s8 =	sld [smem:$0x3FB1]  }
0x2e: {  	s3 =	simm.s32 @!p0 $0x1082;
	s9 =	sld [smem:$0x3FB2]  }
0x2f: {  	lr =	sadd.s32 s0, s3;
	s0 =	sld [smem:$0x3FA9]  }
0x30: {  	s3 =	sld [smem:$0x3FAC]  }
0x31: {  	[smem:$0x3FB5] =	sst s10  }
0x32: {  	s10 =	sld [smem:$0x3FB3];
	_ =	sdelay $0x3  }
0x33: {  	p0 =	seq.s32 s10, $0x1;
	s10 =	sld [smem:$0x3FB5];
	_ =	sdelay $0x3  }
0x34: {  	[smem:$0x3FB5] =	sst s10  }
0x35: {  	s10 =	sld [smem:$0x3FB4];
	_ =	sdelay $0x3  }
0x36: {  	p1 =	seq.s32 s10, $0x1;
	s10 =	sld [smem:$0x3FB5];
	_ =	sdelay $0x3  }
0x37: {  	[smem:$0x3FB5] =	sst s10  }
0x38: {  	s10 =	sld [smem:$0x3FB6]  }
0x39: {  	_ = 	snop;
	(pc) =	sbr.ind lr, $3  }
0x3a: {  	_ = 	snop  }
0x3b: {  	_ = 	snop  }
0x3c: {  	p2 =	seq.s32 s10, $0x1;
	s10 =	sld [smem:$0x3FB5]  }
0x3d: {  	_ =	shalt  }
0x3e: {  	_ =	shalt  }
0x3f: {  	_ =	shalt  }
0x40: {  	_ =	shalt  }
0x41: {  	_ =	shalt  }
0x42: {  	_ =	shalt  }
0x43: {  	_ =	shalt  }
0x44: {  	_ =	shalt  }
0x45: {  	_ =	shalt  }
0x46: {  	_ =	shalt  }
0x47: {  	_ =	shalt  }
0x48: {  	_ =	shalt  }
0x49: {  	_ =	shalt  }
0x4a: {  	_ =	shalt  }
0x4b: {  	_ =	shalt  }
0x4c: {  	_ =	shalt  }
0x4d: {  	_ =	shalt  }
0x4e: {  	_ =	shalt  }
0x4f: {  	_ =	shalt  }
0x50: {  	_ =	shalt  }
0x51: {  	_ =	shalt  }
0x52: {  	_ =	shalt  }
0x53: {  	_ =	shalt  }
0x54: {  	_ =	shalt  }
0x55: {  	_ =	shalt  }
0x56: {  	_ =	shalt  }
0x57: {  	_ =	shalt  }
0x58: {  	_ =	shalt  }
0x59: {  	_ =	shalt  }
0x5a: {  	_ =	shalt  }
0x5b: {  	_ =	shalt  }
0x5c: {  	_ =	shalt  }
0x5d: {  	_ =	shalt  }
0x5e: {  	_ =	shalt  }
0x5f: {  	_ =	shalt  }
0x60: {  	_ =	shalt  }
0x61: {  	_ =	shalt  }
0x62: {  	_ =	shalt  }
0x63: {  	_ =	shalt  }
0x64: {  	_ =	shalt  }
0x65: {  	_ =	shalt  }
0x66: {  	_ =	shalt  }
0x67: {  	_ =	shalt  }
0x68: {  	_ =	shalt  }
0x69: {  	_ =	shalt  }
0x6a: {  	_ =	shalt  }
0x6b: {  	_ =	shalt  }
0x6c: {  	_ =	shalt  }
0x6d: {  	_ =	shalt  }
0x6e: {  	_ =	shalt  }
0x6f: {  	_ =	shalt  }
0x70: {  	_ =	shalt  }
0x71: {  	_ =	shalt  }
0x72: {  	_ =	shalt  }
0x73: {  	_ =	shalt  }
0x74: {  	_ =	shalt  }
0x75: {  	_ =	shalt  }
0x76: {  	_ =	shalt  }
0x77: {  	_ =	shalt  }
0x78: {  	_ =	shalt  }
0x79: {  	_ =	shalt  }
0x7a: {  	_ =	shalt  }
0x7b: {  	_ =	shalt  }
0x7c: {  	_ =	shalt  }
0x7d: {  	_ =	shalt  }
0x7e: {  	_ =	shalt  }
0x7f: {  	_ =	shalt  }
0x80: {  	_ =	shalt  }
0x81: {  	_ =	shalt  }
0x82: {  	_ =	shalt  }
0x83: {  	_ =	shalt  }
0x84: {  	_ =	shalt  }
0x85: {  	_ =	shalt  }
0x86: {  	_ =	shalt  }
0x87: {  	_ =	shalt  }
.Lfunc_end0:
.L_simem_size_0:
called_computation_lowered:
.L_overlay_start_0:
0x88: {  	s0 =	sld [smem:$0x3FD9]  }
0x89: {  	s1 =	sld [smem:$0x3FFE];
	_ =	sdelay $0x3  }
0x8a: {  	s0 =	sadd.s32 s1, s0  }
0x8b: {  	[smem:$0x3FC1] =	sst s0  }
0x8c: {  	_ = 	snop  }
0x8d: {  	s0 =	sld [smem:$0x3FC9]  }
0x8e: {  	s16 =	sld [smem:$0x3FD0];
	(tm) =	ssettm $0x1  }
0x8f: {  	s2 =	sld [smem:$0x3FFB];
	_ =	sdelay $0x3  }
0x90: {  	_ =	strace s2  }
0x91: {  	s2 =	sld [smem:$0x3FFC];
	_ =	sdelay $0x3  }
0x92: {  	_ =	strace s2  }
0x93: {  	s2 =	sld [smem:$0x3FFD];
	_ =	sdelay $0x3  }
0x94: {  	_ =	strace s2  }
0x95: {  	_ =	strace $0x8FFFFFFF  }
0x96: {  	s17 =	sld [smem:$0x3FDB];
	_ =	sdelay $0x1  }
0x97: {  	s3 =	simm.s32 $_scs_section_size  }
0x98: {  	s4 =	simm.s32 $_size__tile_overlayer_lowered;
	s5 =	simm.s32 $_tile_overlayer_lowered  }
0x99: {  	s20 =	simm.s32 $0x1BFF;
	s19 =	sshll.u32 s5, $0x1;
	s2 =	sadd.s32 s3, s17  }
0x9a: {  	s6 =	simm.s32 $0x0;
	s18 =	sshll.u32 s4, $0x1;
	s4 =	sadd.s32 s19, s2  }
0x9b: {  	[timem:s6], [sflag:s20] =	dma.local [hbm:s4], s18  }
0x9c: {  	_ =	swait.ge [sflag:s20], s18  }
0x9d: {  	s3 =	ssub.s32 $0x0, s18;
	[sflag:s20] =	ssyncset.done $0x0  }
0x9e: {  	[sflag:s20] =	ssyncadd.s32 s3;
	_ =	sdelay $0x1  }
0x9f: {  	s21 =	simm.s32 $0x1B8B  }
0xa0: {  	_ =	swait.ge [sflag:s21], $0x1  }
0xa1: {  	[sflag:s21] =	ssyncset.done $0x0  }
0xa2: {  	s23 =	simm.s32 $0x1B8E;
	s22 =	sld [smem:$0x3FFE];
	[sflag:s21] =	ssyncadd.s32 $0xFFFFFFFF  }
0xa3: {  	s24 =	simm.s32 $execute0_lowered;
	[smem:$0x3FD2] =	sst s23  }
0xa4: {  	s4 =	sshll.u32 s24, $0x1;
	_ =	strace $0x80000046;
	[dreg:$0x1] =	wrdreg $0xFFFFFFFF  }
0xa5: {  	s25 =	simm.s32 $_size_execute0_lowered;
	s2 =	sadd.s32 s2, s4;
	[dreg:$0x0] =	wrdreg $0x0  }
0xa6: {  	s4 =	sshll.u32 s25, $0x1;
	[dreg:$0x2] =	wrdreg s2  }
0xa7: {  	[dreg:$0x3] =	wrdreg s4  }
0xa8: {  	[dreg:$0x4] =	wrdreg $0xC0  }
0xa9: {  	_ =	task [dreg:s6], $0x5FFFF  }
0xaa: {  	[dreg:$0x1] =	wrdreg $0xFFFFFFFF  }
0xab: {  	[dreg:$0x0] =	wrdreg $0x60  }
0xac: {  	[dreg:$0x2] =	wrdreg s0  }
0xad: {  	[dreg:$0x3] =	wrdreg s22  }
0xae: {  	[dreg:$0x4] =	wrdreg s16  }
0xaf: {  	[dreg:$0x5] =	wrdreg $0x9  }
0xb0: {  	_ =	task.clear_ibuf [dreg:s6], $0x6FFFF;
	_ =	strace $0x90000046  }
0xb1: {  	s26 =	simm.s32 $0x9;
	_ =	strace $0x80000048  }
0xb2: {  	_ =	swait.ge [sflag:s26], $0x1  }
0xb3: {  	[sflag:s26] =	ssyncadd.s32 $0xFFFFFFFF  }
0xb4: {  	_ =	strace $0x90000048  }
0xb5: {  	_ =	sfence  }
0xb6: {  	s28 =	sld [smem:$0x0];
	_ =	sdelay $0x1  }
0xb7: {  	s29 =	srdreg.scid  }
0xb8: {  	s30 =	sshll.u32 s29, $0xD;
	s31 =	sshrl.u32 s29, $0x2  }
0xb9: {  	s1 =	sand.u32 $0x1, s29;
	s2 =	sand.u32 $0x4000, s30;
	s0 =	sadd.s32 s31, s28  }
0xba: {  	s1 =	sor.u32 s2, s1;
	s0 =	sshll.u32 s0, $0x11  }
0xbb: {  	s0 =	sor.u32 s0, s1  }
0xbc: {  	s0 =	sadd.s32 $0x8F2B, s0  }
0xbd: {  	[sflag:s0] =	ssyncadd.remote.s32 $0x1  }
0xbe: {  	_ =	sfence.sel $0xFFFF  }
0xbf: {  	[dreg:$0x0] =	wrdreg $0xFFFFFFFF;
	(pc) =	sbr.abs _section_cstart, $3  }
0xc0: {  	[dreg:$0x1] =	wrdreg $0xFFFFFFFF  }
0xc1: {  	_ =	task.clear_ibuf [dreg:s6], $0x2FFFF;
	_ =	strace $0x9FFFFFFF  }
0xc2: {  	(tm) =	ssettm $0x7FFFFFFF  }
0xc3: {  	_ =	shalt  }
tec
execute0_lowered:
.L_overlay_start_1:
0x0: {  	(tag) =	ssettag $0x1  }
0x1: {  	s3 =	rddreg [dreg:$0x0]  }
0x2: {  	s4 =	rddreg [dreg:$0x1]  }
0x3: {  	s5 =	rddreg [dreg:$0x2];
	s2 =	simm.s32 $0x0;
	s1 =	stileid.u32  }
0x4: {  	[smem:$0x7FF] =	sst s2;
	s6 =	sshll.u32 s1, $0x8  }
0x5: {  	s0 =	rddreg [dreg:$0x3];
	_ =	strace $0x80000047;
	s3 =	sadd.s32 s3, s6  }
0x6: {  	[tilespmem:s2], [sflag:$0x1] =	stream.linear.gather [hbm4b:s3+s2], $0x100, $0x38;
	[tilespmem:$0xCA0] =	vst v63  }
0x7: {  	s7 =	simm.s32 $0x100;
	s6 =	sadd.s32 $0x20, s3  }
0x8: {  	[tilespmem:s7], [sflag:$0x1] =	stream.linear.gather [hbm4b:s6+s2], $0x100, $0x38;
	[tilespmem:$0xCA0] =	vst v63  }
0x9: {  	s24 =	simm.s32 $0x200;
	s23 =	sadd.s32 $0x40, s3  }
0xa: {  	[tilespmem:s24], [sflag:$0x1] =	stream.linear.gather [hbm4b:s23+s2], $0x100, $0x38;
	[tilespmem:$0xCA0] =	vst v63  }
0xb: {  	s26 =	simm.s32 $0x300;
	s25 =	sadd.s32 $0x60, s3  }
0xc: {  	[tilespmem:s26], [sflag:$0x1] =	stream.linear.gather [hbm4b:s25+s2], $0x100, $0x38;
	[tilespmem:$0xCA0] =	vst v63  }
0xd: {  	s29 =	simm.s32 $0x400;
	s28 =	sadd.s32 $0x80, s3  }
0xe: {  	[tilespmem:s29], [sflag:$0x1] =	stream.linear.gather [hbm4b:s28+s2], $0x100, $0x38;
	[tilespmem:$0xCA0] =	vst v63  }
0xf: {  	s31 =	simm.s32 $0x500;
	s30 =	sadd.s32 $0xA0, s3  }
0x10: {  	[tilespmem:s31], [sflag:$0x1] =	stream.linear.gather [hbm4b:s30+s2], $0x100, $0x38;
	[tilespmem:$0xCA0] =	vst v63  }
0x11: {  	s9 =	simm.s32 $0x600;
	s8 =	sadd.s32 $0xC0, s3  }
0x12: {  	[tilespmem:s9], [sflag:$0x1] =	stream.linear.gather [hbm4b:s8+s2], $0x100, $0x38;
	[tilespmem:$0xCA0] =	vst v63  }
0x13: {  	s10 =	simm.s32 $0x700;
	s3 =	sadd.s32 $0xE0, s3  }
0x14: {  	[tilespmem:s10], [sflag:$0x1] =	stream.linear.gather [hbm4b:s3+s2], $0x100, $0x38;
	[tilespmem:$0xCA0] =	vst v63  }
0x15: {  	s11 =	simm.s32 $0x800;
	s12 =	simm.s32 $0x2;
	s4 =	sadd.s32 $0x1000, s4  }
0x16: {  	[tilespmem:s11], [sflag:$0x2] =	stream.linear.gather [hbm4b:s4+s2], $0xA0, $0x38;
	[tilespmem:$0xCA0] =	vst v63  }
0x17: {  	_ =	swait.ge [sflag:s12], $0xA0  }
0x18: {  	[sflag:s12] =	ssyncset.done $0x0  }
0x19: {  	s13 =	simm.s32 $0x1;
	[sflag:s12] =	ssyncadd.s32 $0xFFFFFF60  }
0x1a: {  	_ =	swait.ge [sflag:s13], $0x100  }
0x1b: {  	[sflag:s13] =	ssyncset.done $0x0  }
0x1c: {  	[sflag:s13] =	ssyncadd.s32 $0xFFFFFF00  }
0x1d: {  	v0 =	vld [tilespmem:$0x0]  }
0x1e: {  	v1 =	vld [tilespmem:$0x80];
	_ =	sdelay $0x3  }
0x1f: {  	v0 =	vshll.u32 v0, $0x4  }
0x20: {  	v9 =	vld [tilespmem:$0x10];
	v0 =	vadd.s32 v1, v0  }
0x21: {  	v2 =	vld [tilespmem:$0x90];
	_ =	sdelay $0x3  }
0x22: {  	v1 =	vshll.u32 v9, $0x4;
	v0 =	vld.idx.msk [tilespmem:v0+s11+$0x0], $0xffff  }
0x23: {  	v10 =	vld [tilespmem:$0x20];
	v1 =	vadd.s32 v2, v1  }
0x24: {  	v3 =	vld [tilespmem:$0xA0];
	_ =	sdelay $0x2  }
0x25: {  	[tilespmem:$0x8A0] =	vst v0  }
0x26: {  	v11 =	vshll.u32 v10, $0x4;
	v0 =	vld.idx.msk [tilespmem:v1+s11+$0x0], $0xffff  }
0x27: {  	v12 =	vld [tilespmem:$0x30];
	v1 =	vadd.s32 v3, v11  }
0x28: {  	v13 =	vld [tilespmem:$0xB0];
	_ =	sdelay $0x2  }
0x29: {  	[tilespmem:$0x8B0] =	vst v0  }
0x2a: {  	v14 =	vshll.u32 v12, $0x4;
	v0 =	vld.idx.msk [tilespmem:v1+s11+$0x0], $0xffff  }
0x2b: {  	v15 =	vld [tilespmem:$0x40];
	v1 =	vadd.s32 v13, v14  }
0x2c: {  	v16 =	vld [tilespmem:$0xC0];
	_ =	sdelay $0x2  }
0x2d: {  	[tilespmem:$0x8C0] =	vst v0  }
0x2e: {  	v17 =	vshll.u32 v15, $0x4;
	v0 =	vld.idx.msk [tilespmem:v1+s11+$0x0], $0xffff  }
0x2f: {  	v18 =	vld [tilespmem:$0x50];
	v1 =	vadd.s32 v16, v17  }
0x30: {  	v19 =	vld [tilespmem:$0xD0];
	_ =	sdelay $0x2  }
0x31: {  	[tilespmem:$0x8D0] =	vst v0  }
0x32: {  	v20 =	vshll.u32 v18, $0x4;
	v0 =	vld.idx.msk [tilespmem:v1+s11+$0x0], $0xffff  }
0x33: {  	v21 =	vld [tilespmem:$0x60];
	v1 =	vadd.s32 v19, v20  }
0x34: {  	v22 =	vld [tilespmem:$0xE0];
	_ =	sdelay $0x2  }
0x35: {  	[tilespmem:$0x8E0] =	vst v0  }
0x36: {  	v23 =	vshll.u32 v21, $0x4;
	v0 =	vld.idx.msk [tilespmem:v1+s11+$0x0], $0xffff  }
0x37: {  	v24 =	vld [tilespmem:$0x70];
	v1 =	vadd.s32 v22, v23  }
0x38: {  	v25 =	vld [tilespmem:$0xF0];
	_ =	sdelay $0x2  }
0x39: {  	[tilespmem:$0x8F0] =	vst v0  }
0x3a: {  	v26 =	vshll.u32 v24, $0x4;
	v0 =	vld.idx.msk [tilespmem:v1+s11+$0x0], $0xffff  }
0x3b: {  	v1 =	vadd.s32 v25, v26;
	_ =	sdelay $0x3  }
0x3c: {  	[tilespmem:$0x900] =	vst v0  }
0x3d: {  	v0 =	vld.idx.msk [tilespmem:v1+s11+$0x0], $0xffff;
	_ =	sdelay $0x3  }
0x3e: {  	s14 =	sshll.u32 s1, $0x7  }
0x3f: {  	s15 =	simm.s32 $0x8A0;
	s5 =	sadd.s32 s5, s14;
	[tilespmem:$0x910] =	vst v0  }
0x40: {  	[hbm4b:s5+s2] =	stream.linear.scatter [tilespmem:s15], [sflag:$0x3], $0x80, $0x38;
	[tilespmem:$0xCA0] =	vst v63  }
0x41: {  	_ =	swait.ge [sflag:s13], $0x100  }
0x42: {  	[sflag:s13] =	ssyncset.done $0x0  }
0x43: {  	[sflag:s13] =	ssyncadd.s32 $0xFFFFFF00  }
0x44: {  	v27 =	vld [tilespmem:$0x100]  }
0x45: {  	v28 =	vld [tilespmem:$0x180];
	_ =	sdelay $0x3  }
0x46: {  	v0 =	vshll.u32 v27, $0x4  }
0x47: {  	v29 =	vld [tilespmem:$0x110];
	v0 =	vadd.s32 v28, v0  }
0x48: {  	v30 =	vld [tilespmem:$0x190];
	_ =	sdelay $0x3  }
0x49: {  	v1 =	vshll.u32 v29, $0x4;
	v0 =	vld.idx.msk [tilespmem:v0+s11+$0x0], $0xffff  }
0x4a: {  	v31 =	vld [tilespmem:$0x120];
	v1 =	vadd.s32 v30, v1  }
0x4b: {  	v32 =	vld [tilespmem:$0x1A0];
	_ =	sdelay $0x2  }
0x4c: {  	[tilespmem:$0x920] =	vst v0  }
0x4d: {  	v33 =	vshll.u32 v31, $0x4;
	v0 =	vld.idx.msk [tilespmem:v1+s11+$0x0], $0xffff  }
0x4e: {  	v34 =	vld [tilespmem:$0x130];
	v1 =	vadd.s32 v32, v33  }
0x4f: {  	v35 =	vld [tilespmem:$0x1B0];
	_ =	sdelay $0x2  }
0x50: {  	[tilespmem:$0x930] =	vst v0  }
0x51: {  	v36 =	vshll.u32 v34, $0x4;
	v0 =	vld.idx.msk [tilespmem:v1+s11+$0x0], $0xffff  }
0x52: {  	v37 =	vld [tilespmem:$0x140];
	v1 =	vadd.s32 v35, v36  }
0x53: {  	v38 =	vld [tilespmem:$0x1C0];
	_ =	sdelay $0x2  }
0x54: {  	[tilespmem:$0x940] =	vst v0  }
0x55: {  	v39 =	vshll.u32 v37, $0x4;
	v0 =	vld.idx.msk [tilespmem:v1+s11+$0x0], $0xffff  }
0x56: {  	v40 =	vld [tilespmem:$0x150];
	v1 =	vadd.s32 v38, v39  }
0x57: {  	v41 =	vld [tilespmem:$0x1D0];
	_ =	sdelay $0x2  }
0x58: {  	[tilespmem:$0x950] =	vst v0  }
0x59: {  	v42 =	vshll.u32 v40, $0x4;
	v0 =	vld.idx.msk [tilespmem:v1+s11+$0x0], $0xffff  }
0x5a: {  	v43 =	vld [tilespmem:$0x160];
	v1 =	vadd.s32 v41, v42  }
0x5b: {  	v44 =	vld [tilespmem:$0x1E0];
	_ =	sdelay $0x2  }
0x5c: {  	[tilespmem:$0x960] =	vst v0  }
0x5d: {  	v45 =	vshll.u32 v43, $0x4;
	v0 =	vld.idx.msk [tilespmem:v1+s11+$0x0], $0xffff  }
0x5e: {  	v46 =	vld [tilespmem:$0x170];
	v1 =	vadd.s32 v44, v45  }
0x5f: {  	v47 =	vld [tilespmem:$0x1F0];
	_ =	sdelay $0x2  }
0x60: {  	[tilespmem:$0x970] =	vst v0  }
0x61: {  	v48 =	vshll.u32 v46, $0x4;
	v0 =	vld.idx.msk [tilespmem:v1+s11+$0x0], $0xffff  }
0x62: {  	v1 =	vadd.s32 v47, v48;
	_ =	sdelay $0x3  }
0x63: {  	[tilespmem:$0x980] =	vst v0  }
0x64: {  	v0 =	vld.idx.msk [tilespmem:v1+s11+$0x0], $0xffff;
	_ =	sdelay $0x4  }
0x65: {  	s17 =	simm.s32 $0x920;
	s16 =	sadd.s32 $0x10, s5;
	[tilespmem:$0x990] =	vst v0  }
0x66: {  	[hbm4b:s16+s2] =	stream.linear.scatter [tilespmem:s17], [sflag:$0x3], $0x80, $0x38;
	[tilespmem:$0xCA0] =	vst v63  }
0x67: {  	_ =	swait.ge [sflag:s13], $0x100  }
0x68: {  	[sflag:s13] =	ssyncset.done $0x0  }
0x69: {  	[sflag:s13] =	ssyncadd.s32 $0xFFFFFF00  }
0x6a: {  	v49 =	vld [tilespmem:$0x200]  }
0x6b: {  	v50 =	vld [tilespmem:$0x280];
	_ =	sdelay $0x3  }
0x6c: {  	v0 =	vshll.u32 v49, $0x4  }
0x6d: {  	v51 =	vld [tilespmem:$0x210];
	v0 =	vadd.s32 v50, v0  }
0x6e: {  	v52 =	vld [tilespmem:$0x290];
	_ =	sdelay $0x3  }
0x6f: {  	v1 =	vshll.u32 v51, $0x4;
	v0 =	vld.idx.msk [tilespmem:v0+s11+$0x0], $0xffff  }
0x70: {  	v53 =	vld [tilespmem:$0x220];
	v1 =	vadd.s32 v52, v1  }
0x71: {  	v54 =	vld [tilespmem:$0x2A0];
	_ =	sdelay $0x2  }
0x72: {  	[tilespmem:$0x9A0] =	vst v0  }
0x73: {  	v55 =	vshll.u32 v53, $0x4;
	v0 =	vld.idx.msk [tilespmem:v1+s11+$0x0], $0xffff  }
0x74: {  	v56 =	vld [tilespmem:$0x230];
	v1 =	vadd.s32 v54, v55  }
0x75: {  	v57 =	vld [tilespmem:$0x2B0];
	_ =	sdelay $0x2  }
0x76: {  	[tilespmem:$0x9B0] =	vst v0  }
0x77: {  	v58 =	vshll.u32 v56, $0x4;
	v0 =	vld.idx.msk [tilespmem:v1+s11+$0x0], $0xffff  }
0x78: {  	v59 =	vld [tilespmem:$0x240];
	v1 =	vadd.s32 v57, v58  }
0x79: {  	v60 =	vld [tilespmem:$0x2C0];
	_ =	sdelay $0x2  }
0x7a: {  	[tilespmem:$0x9C0] =	vst v0  }
0x7b: {  	v61 =	vshll.u32 v59, $0x4;
	v0 =	vld.idx.msk [tilespmem:v1+s11+$0x0], $0xffff  }
0x7c: {  	v62 =	vld [tilespmem:$0x250];
	v1 =	vadd.s32 v60, v61  }
0x7d: {  	v63 =	vld [tilespmem:$0x2D0];
	_ =	sdelay $0x2  }
0x7e: {  	[tilespmem:$0x9D0] =	vst v0  }
0x7f: {  	v5 =	vshll.u32 v62, $0x4;
	v0 =	vld.idx.msk [tilespmem:v1+s11+$0x0], $0xffff  }
0x80: {  	v6 =	vld [tilespmem:$0x260];
	v1 =	vadd.s32 v63, v5  }
0x81: {  	v7 =	vld [tilespmem:$0x2E0];
	_ =	sdelay $0x2  }
0x82: {  	[tilespmem:$0x9E0] =	vst v0  }
0x83: {  	v8 =	vshll.u32 v6, $0x4;
	v0 =	vld.idx.msk [tilespmem:v1+s11+$0x0], $0xffff  }
0x84: {  	v9 =	vld [tilespmem:$0x270];
	v1 =	vadd.s32 v7, v8  }
0x85: {  	v10 =	vld [tilespmem:$0x2F0];
	_ =	sdelay $0x2  }
0x86: {  	[tilespmem:$0x9F0] =	vst v0  }
0x87: {  	v11 =	vshll.u32 v9, $0x4;
	v0 =	vld.idx.msk [tilespmem:v1+s11+$0x0], $0xffff  }
0x88: {  	v1 =	vadd.s32 v10, v11;
	_ =	sdelay $0x3  }
0x89: {  	[tilespmem:$0xA00] =	vst v0  }
0x8a: {  	v0 =	vld.idx.msk [tilespmem:v1+s11+$0x0], $0xffff;
	_ =	sdelay $0x4  }
0x8b: {  	s19 =	simm.s32 $0x9A0;
	s18 =	sadd.s32 $0x20, s5;
	[tilespmem:$0xA10] =	vst v0  }
0x8c: {  	[hbm4b:s18+s2] =	stream.linear.scatter [tilespmem:s19], [sflag:$0x3], $0x80, $0x38;
	[tilespmem:$0xCA0] =	vst v63  }
0x8d: {  	_ =	swait.ge [sflag:s13], $0x100  }
0x8e: {  	[sflag:s13] =	ssyncset.done $0x0  }
0x8f: {  	[sflag:s13] =	ssyncadd.s32 $0xFFFFFF00  }
0x90: {  	v12 =	vld [tilespmem:$0x300]  }
0x91: {  	v13 =	vld [tilespmem:$0x380];
	_ =	sdelay $0x3  }
0x92: {  	v0 =	vshll.u32 v12, $0x4  }
0x93: {  	v14 =	vld [tilespmem:$0x310];
	v0 =	vadd.s32 v13, v0  }
0x94: {  	v15 =	vld [tilespmem:$0x390];
	_ =	sdelay $0x3  }
0x95: {  	v1 =	vshll.u32 v14, $0x4;
	v0 =	vld.idx.msk [tilespmem:v0+s11+$0x0], $0xffff  }
0x96: {  	v16 =	vld [tilespmem:$0x320];
	v1 =	vadd.s32 v15, v1  }
0x97: {  	v17 =	vld [tilespmem:$0x3A0];
	_ =	sdelay $0x2  }
0x98: {  	[tilespmem:$0xA20] =	vst v0  }
0x99: {  	v18 =	vshll.u32 v16, $0x4;
	v0 =	vld.idx.msk [tilespmem:v1+s11+$0x0], $0xffff  }
0x9a: {  	v19 =	vld [tilespmem:$0x330];
	v1 =	vadd.s32 v17, v18  }
0x9b: {  	v20 =	vld [tilespmem:$0x3B0];
	_ =	sdelay $0x2  }
0x9c: {  	[tilespmem:$0xA30] =	vst v0  }
0x9d: {  	v21 =	vshll.u32 v19, $0x4;
	v0 =	vld.idx.msk [tilespmem:v1+s11+$0x0], $0xffff  }
0x9e: {  	v22 =	vld [tilespmem:$0x340];
	v1 =	vadd.s32 v20, v21  }
0x9f: {  	v23 =	vld [tilespmem:$0x3C0];
	_ =	sdelay $0x2  }
0xa0: {  	[tilespmem:$0xA40] =	vst v0  }
0xa1: {  	v24 =	vshll.u32 v22, $0x4;
	v0 =	vld.idx.msk [tilespmem:v1+s11+$0x0], $0xffff  }
0xa2: {  	v25 =	vld [tilespmem:$0x350];
	v1 =	vadd.s32 v23, v24  }
0xa3: {  	v26 =	vld [tilespmem:$0x3D0];
	_ =	sdelay $0x2  }
0xa4: {  	[tilespmem:$0xA50] =	vst v0  }
0xa5: {  	v27 =	vshll.u32 v25, $0x4;
	v0 =	vld.idx.msk [tilespmem:v1+s11+$0x0], $0xffff  }
0xa6: {  	v28 =	vld [tilespmem:$0x360];
	v1 =	vadd.s32 v26, v27  }
0xa7: {  	v29 =	vld [tilespmem:$0x3E0];
	_ =	sdelay $0x2  }
0xa8: {  	[tilespmem:$0xA60] =	vst v0  }
0xa9: {  	v30 =	vshll.u32 v28, $0x4;
	v0 =	vld.idx.msk [tilespmem:v1+s11+$0x0], $0xffff  }
0xaa: {  	v31 =	vld [tilespmem:$0x370];
	v1 =	vadd.s32 v29, v30  }
0xab: {  	v32 =	vld [tilespmem:$0x3F0];
	_ =	sdelay $0x2  }
0xac: {  	[tilespmem:$0xA70] =	vst v0  }
0xad: {  	v33 =	vshll.u32 v31, $0x4;
	v0 =	vld.idx.msk [tilespmem:v1+s11+$0x0], $0xffff  }
0xae: {  	v1 =	vadd.s32 v32, v33;
	_ =	sdelay $0x3  }
0xaf: {  	[tilespmem:$0xA80] =	vst v0  }
0xb0: {  	v0 =	vld.idx.msk [tilespmem:v1+s11+$0x0], $0xffff;
	_ =	sdelay $0x4  }
0xb1: {  	s21 =	simm.s32 $0xA20;
	s20 =	sadd.s32 $0x30, s5;
	[tilespmem:$0xA90] =	vst v0  }
0xb2: {  	[hbm4b:s20+s2] =	stream.linear.scatter [tilespmem:s21], [sflag:$0x3], $0x80, $0x38;
	[tilespmem:$0xCA0] =	vst v63  }
0xb3: {  	_ =	swait.ge [sflag:s13], $0x100  }
0xb4: {  	[sflag:s13] =	ssyncset.done $0x0  }
0xb5: {  	[sflag:s13] =	ssyncadd.s32 $0xFFFFFF00  }
0xb6: {  	v34 =	vld [tilespmem:$0x400]  }
0xb7: {  	v35 =	vld [tilespmem:$0x480];
	_ =	sdelay $0x3  }
0xb8: {  	v0 =	vshll.u32 v34, $0x4  }
0xb9: {  	v36 =	vld [tilespmem:$0x410];
	v0 =	vadd.s32 v35, v0  }
0xba: {  	v37 =	vld [tilespmem:$0x490];
	_ =	sdelay $0x3  }
0xbb: {  	v1 =	vshll.u32 v36, $0x4;
	v0 =	vld.idx.msk [tilespmem:v0+s11+$0x0], $0xffff  }
0xbc: {  	v38 =	vld [tilespmem:$0x420];
	v1 =	vadd.s32 v37, v1  }
0xbd: {  	v39 =	vld [tilespmem:$0x4A0];
	_ =	sdelay $0x2  }
0xbe: {  	[tilespmem:$0xAA0] =	vst v0  }
0xbf: {  	v40 =	vshll.u32 v38, $0x4;
	v0 =	vld.idx.msk [tilespmem:v1+s11+$0x0], $0xffff  }
0xc0: {  	v41 =	vld [tilespmem:$0x430];
	v1 =	vadd.s32 v39, v40  }
0xc1: {  	v42 =	vld [tilespmem:$0x4B0];
	_ =	sdelay $0x2  }
0xc2: {  	[tilespmem:$0xAB0] =	vst v0  }
0xc3: {  	v43 =	vshll.u32 v41, $0x4;
	v0 =	vld.idx.msk [tilespmem:v1+s11+$0x0], $0xffff  }
0xc4: {  	v44 =	vld [tilespmem:$0x440];
	v1 =	vadd.s32 v42, v43  }
0xc5: {  	v45 =	vld [tilespmem:$0x4C0];
	_ =	sdelay $0x2  }
0xc6: {  	[tilespmem:$0xAC0] =	vst v0  }
0xc7: {  	v46 =	vshll.u32 v44, $0x4;
	v0 =	vld.idx.msk [tilespmem:v1+s11+$0x0], $0xffff  }
0xc8: {  	v47 =	vld [tilespmem:$0x450];
	v1 =	vadd.s32 v45, v46  }
0xc9: {  	v48 =	vld [tilespmem:$0x4D0];
	_ =	sdelay $0x2  }
0xca: {  	[tilespmem:$0xAD0] =	vst v0  }
0xcb: {  	v49 =	vshll.u32 v47, $0x4;
	v0 =	vld.idx.msk [tilespmem:v1+s11+$0x0], $0xffff  }
0xcc: {  	v50 =	vld [tilespmem:$0x460];
	v1 =	vadd.s32 v48, v49  }
0xcd: {  	v51 =	vld [tilespmem:$0x4E0];
	_ =	sdelay $0x2  }
0xce: {  	[tilespmem:$0xAE0] =	vst v0  }
0xcf: {  	v52 =	vshll.u32 v50, $0x4;
	v0 =	vld.idx.msk [tilespmem:v1+s11+$0x0], $0xffff  }
0xd0: {  	v53 =	vld [tilespmem:$0x470];
	v1 =	vadd.s32 v51, v52  }
0xd1: {  	v54 =	vld [tilespmem:$0x4F0];
	_ =	sdelay $0x2  }
0xd2: {  	[tilespmem:$0xAF0] =	vst v0  }
0xd3: {  	v55 =	vshll.u32 v53, $0x4;
	v0 =	vld.idx.msk [tilespmem:v1+s11+$0x0], $0xffff  }
0xd4: {  	v1 =	vadd.s32 v54, v55;
	_ =	sdelay $0x3  }
0xd5: {  	[tilespmem:$0xB00] =	vst v0  }
0xd6: {  	v0 =	vld.idx.msk [tilespmem:v1+s11+$0x0], $0xffff;
	_ =	sdelay $0x4  }
0xd7: {  	s22 =	sadd.s32 $0x40, s5;
	s23 =	simm.s32 $0xAA0;
	[tilespmem:$0xB10] =	vst v0  }
0xd8: {  	[hbm4b:s22+s2] =	stream.linear.scatter [tilespmem:s23], [sflag:$0x3], $0x80, $0x38;
	[tilespmem:$0xCA0] =	vst v63  }
0xd9: {  	_ =	swait.ge [sflag:s13], $0x100  }
0xda: {  	[sflag:s13] =	ssyncset.done $0x0  }
0xdb: {  	[sflag:s13] =	ssyncadd.s32 $0xFFFFFF00  }
0xdc: {  	v56 =	vld [tilespmem:$0x500]  }
0xdd: {  	v57 =	vld [tilespmem:$0x580];
	_ =	sdelay $0x3  }
0xde: {  	v0 =	vshll.u32 v56, $0x4  }
0xdf: {  	v58 =	vld [tilespmem:$0x510];
	v0 =	vadd.s32 v57, v0  }
0xe0: {  	v59 =	vld [tilespmem:$0x590];
	_ =	sdelay $0x3  }
0xe1: {  	v1 =	vshll.u32 v58, $0x4;
	v0 =	vld.idx.msk [tilespmem:v0+s11+$0x0], $0xffff  }
0xe2: {  	v60 =	vld [tilespmem:$0x520];
	v1 =	vadd.s32 v59, v1  }
0xe3: {  	v61 =	vld [tilespmem:$0x5A0];
	_ =	sdelay $0x2  }
0xe4: {  	[tilespmem:$0xB20] =	vst v0  }
0xe5: {  	v62 =	vshll.u32 v60, $0x4;
	v0 =	vld.idx.msk [tilespmem:v1+s11+$0x0], $0xffff  }
0xe6: {  	v63 =	vld [tilespmem:$0x530];
	v1 =	vadd.s32 v61, v62  }
0xe7: {  	v6 =	vld [tilespmem:$0x5B0];
	_ =	sdelay $0x2  }
0xe8: {  	[tilespmem:$0xB30] =	vst v0  }
0xe9: {  	v7 =	vshll.u32 v63, $0x4;
	v0 =	vld.idx.msk [tilespmem:v1+s11+$0x0], $0xffff  }
0xea: {  	v8 =	vld [tilespmem:$0x540];
	v1 =	vadd.s32 v6, v7  }
0xeb: {  	v9 =	vld [tilespmem:$0x5C0];
	_ =	sdelay $0x2  }
0xec: {  	[tilespmem:$0xB40] =	vst v0  }
0xed: {  	v10 =	vshll.u32 v8, $0x4;
	v0 =	vld.idx.msk [tilespmem:v1+s11+$0x0], $0xffff  }
0xee: {  	v11 =	vld [tilespmem:$0x550];
	v1 =	vadd.s32 v9, v10  }
0xef: {  	v12 =	vld [tilespmem:$0x5D0];
	_ =	sdelay $0x2  }
0xf0: {  	[tilespmem:$0xB50] =	vst v0  }
0xf1: {  	v13 =	vshll.u32 v11, $0x4;
	v0 =	vld.idx.msk [tilespmem:v1+s11+$0x0], $0xffff  }
0xf2: {  	v14 =	vld [tilespmem:$0x560];
	v1 =	vadd.s32 v12, v13  }
0xf3: {  	v15 =	vld [tilespmem:$0x5E0];
	_ =	sdelay $0x2  }
0xf4: {  	[tilespmem:$0xB60] =	vst v0  }
0xf5: {  	v16 =	vshll.u32 v14, $0x4;
	v0 =	vld.idx.msk [tilespmem:v1+s11+$0x0], $0xffff  }
0xf6: {  	v17 =	vld [tilespmem:$0x570];
	v1 =	vadd.s32 v15, v16  }
0xf7: {  	v18 =	vld [tilespmem:$0x5F0];
	_ =	sdelay $0x2  }
0xf8: {  	[tilespmem:$0xB70] =	vst v0  }
0xf9: {  	v19 =	vshll.u32 v17, $0x4;
	v0 =	vld.idx.msk [tilespmem:v1+s11+$0x0], $0xffff  }
0xfa: {  	v1 =	vadd.s32 v18, v19;
	_ =	sdelay $0x3  }
0xfb: {  	[tilespmem:$0xB80] =	vst v0  }
0xfc: {  	v0 =	vld.idx.msk [tilespmem:v1+s11+$0x0], $0xffff;
	_ =	sdelay $0x4  }
0xfd: {  	s24 =	sadd.s32 $0x50, s5;
	s25 =	simm.s32 $0xB20;
	[tilespmem:$0xB90] =	vst v0  }
0xfe: {  	[hbm4b:s24+s2] =	stream.linear.scatter [tilespmem:s25], [sflag:$0x3], $0x80, $0x38;
	[tilespmem:$0xCA0] =	vst v63  }
0xff: {  	_ =	swait.ge [sflag:s13], $0x100  }
0x100: {  	[sflag:s13] =	ssyncset.done $0x0  }
0x101: {  	[sflag:s13] =	ssyncadd.s32 $0xFFFFFF00  }
0x102: {  	v20 =	vld [tilespmem:$0x600]  }
0x103: {  	v21 =	vld [tilespmem:$0x680];
	_ =	sdelay $0x3  }
0x104: {  	v0 =	vshll.u32 v20, $0x4  }
0x105: {  	v22 =	vld [tilespmem:$0x610];
	v0 =	vadd.s32 v21, v0  }
0x106: {  	v23 =	vld [tilespmem:$0x690];
	_ =	sdelay $0x3  }
0x107: {  	v1 =	vshll.u32 v22, $0x4;
	v0 =	vld.idx.msk [tilespmem:v0+s11+$0x0], $0xffff  }
0x108: {  	v24 =	vld [tilespmem:$0x620];
	v1 =	vadd.s32 v23, v1  }
0x109: {  	v25 =	vld [tilespmem:$0x6A0];
	_ =	sdelay $0x2  }
0x10a: {  	[tilespmem:$0xBA0] =	vst v0  }
0x10b: {  	v26 =	vshll.u32 v24, $0x4;
	v0 =	vld.idx.msk [tilespmem:v1+s11+$0x0], $0xffff  }
0x10c: {  	v27 =	vld [tilespmem:$0x630];
	v1 =	vadd.s32 v25, v26  }
0x10d: {  	v28 =	vld [tilespmem:$0x6B0];
	_ =	sdelay $0x2  }
0x10e: {  	[tilespmem:$0xBB0] =	vst v0  }
0x10f: {  	v29 =	vshll.u32 v27, $0x4;
	v0 =	vld.idx.msk [tilespmem:v1+s11+$0x0], $0xffff  }
0x110: {  	v30 =	vld [tilespmem:$0x640];
	v1 =	vadd.s32 v28, v29  }
0x111: {  	v31 =	vld [tilespmem:$0x6C0];
	_ =	sdelay $0x2  }
0x112: {  	[tilespmem:$0xBC0] =	vst v0  }
0x113: {  	v32 =	vshll.u32 v30, $0x4;
	v0 =	vld.idx.msk [tilespmem:v1+s11+$0x0], $0xffff  }
0x114: {  	v33 =	vld [tilespmem:$0x650];
	v1 =	vadd.s32 v31, v32  }
0x115: {  	v34 =	vld [tilespmem:$0x6D0];
	_ =	sdelay $0x2  }
0x116: {  	[tilespmem:$0xBD0] =	vst v0  }
0x117: {  	v35 =	vshll.u32 v33, $0x4;
	v0 =	vld.idx.msk [tilespmem:v1+s11+$0x0], $0xffff  }
0x118: {  	v36 =	vld [tilespmem:$0x660];
	v1 =	vadd.s32 v34, v35  }
0x119: {  	v37 =	vld [tilespmem:$0x6E0];
	_ =	sdelay $0x2  }
0x11a: {  	[tilespmem:$0xBE0] =	vst v0  }
0x11b: {  	v38 =	vshll.u32 v36, $0x4;
	v0 =	vld.idx.msk [tilespmem:v1+s11+$0x0], $0xffff  }
0x11c: {  	v39 =	vld [tilespmem:$0x670];
	v1 =	vadd.s32 v37, v38  }
0x11d: {  	v40 =	vld [tilespmem:$0x6F0];
	_ =	sdelay $0x2  }
0x11e: {  	[tilespmem:$0xBF0] =	vst v0  }
0x11f: {  	v41 =	vshll.u32 v39, $0x4;
	v0 =	vld.idx.msk [tilespmem:v1+s11+$0x0], $0xffff  }
0x120: {  	v1 =	vadd.s32 v40, v41;
	_ =	sdelay $0x3  }
0x121: {  	[tilespmem:$0xC00] =	vst v0  }
0x122: {  	v0 =	vld.idx.msk [tilespmem:v1+s11+$0x0], $0xffff;
	_ =	sdelay $0x4  }
0x123: {  	s26 =	sadd.s32 $0x60, s5;
	s28 =	simm.s32 $0xBA0;
	[tilespmem:$0xC10] =	vst v0  }
0x124: {  	[hbm4b:s26+s2] =	stream.linear.scatter [tilespmem:s28], [sflag:$0x3], $0x80, $0x38;
	[tilespmem:$0xCA0] =	vst v63  }
0x125: {  	_ =	swait.ge [sflag:s13], $0x100  }
0x126: {  	[sflag:s13] =	ssyncset.done $0x0  }
0x127: {  	[sflag:s13] =	ssyncadd.s32 $0xFFFFFF00  }
0x128: {  	v42 =	vld [tilespmem:$0x700]  }
0x129: {  	v43 =	vld [tilespmem:$0x780];
	_ =	sdelay $0x3  }
0x12a: {  	v0 =	vshll.u32 v42, $0x4  }
0x12b: {  	v44 =	vld [tilespmem:$0x710];
	v0 =	vadd.s32 v43, v0  }
0x12c: {  	v45 =	vld [tilespmem:$0x790];
	_ =	sdelay $0x3  }
0x12d: {  	v1 =	vshll.u32 v44, $0x4;
	v0 =	vld.idx.msk [tilespmem:v0+s11+$0x0], $0xffff  }
0x12e: {  	v46 =	vld [tilespmem:$0x720];
	v1 =	vadd.s32 v45, v1  }
0x12f: {  	v47 =	vld [tilespmem:$0x7A0];
	_ =	sdelay $0x2  }
0x130: {  	[tilespmem:$0xC20] =	vst v0  }
0x131: {  	v48 =	vshll.u32 v46, $0x4;
	v0 =	vld.idx.msk [tilespmem:v1+s11+$0x0], $0xffff  }
0x132: {  	v49 =	vld [tilespmem:$0x730];
	v1 =	vadd.s32 v47, v48  }
0x133: {  	v50 =	vld [tilespmem:$0x7B0];
	_ =	sdelay $0x2  }
0x134: {  	[tilespmem:$0xC30] =	vst v0  }
0x135: {  	v51 =	vshll.u32 v49, $0x4;
	v0 =	vld.idx.msk [tilespmem:v1+s11+$0x0], $0xffff  }
0x136: {  	v52 =	vld [tilespmem:$0x740];
	v1 =	vadd.s32 v50, v51  }
0x137: {  	v53 =	vld [tilespmem:$0x7C0];
	_ =	sdelay $0x2  }
0x138: {  	[tilespmem:$0xC40] =	vst v0  }
0x139: {  	v54 =	vshll.u32 v52, $0x4;
	v0 =	vld.idx.msk [tilespmem:v1+s11+$0x0], $0xffff  }
0x13a: {  	v55 =	vld [tilespmem:$0x750];
	v1 =	vadd.s32 v53, v54  }
0x13b: {  	v56 =	vld [tilespmem:$0x7D0];
	_ =	sdelay $0x2  }
0x13c: {  	[tilespmem:$0xC50] =	vst v0  }
0x13d: {  	v57 =	vshll.u32 v55, $0x4;
	v0 =	vld.idx.msk [tilespmem:v1+s11+$0x0], $0xffff  }
0x13e: {  	v58 =	vld [tilespmem:$0x760];
	v1 =	vadd.s32 v56, v57  }
0x13f: {  	v59 =	vld [tilespmem:$0x7E0];
	_ =	sdelay $0x2  }
0x140: {  	[tilespmem:$0xC60] =	vst v0  }
0x141: {  	v60 =	vshll.u32 v58, $0x4;
	v0 =	vld.idx.msk [tilespmem:v1+s11+$0x0], $0xffff  }
0x142: {  	v61 =	vld [tilespmem:$0x770];
	v1 =	vadd.s32 v59, v60  }
0x143: {  	v62 =	vld [tilespmem:$0x7F0];
	_ =	sdelay $0x2  }
0x144: {  	[tilespmem:$0xC70] =	vst v0  }
0x145: {  	v63 =	vshll.u32 v61, $0x4;
	v0 =	vld.idx.msk [tilespmem:v1+s11+$0x0], $0xffff  }
0x146: {  	v1 =	vadd.s32 v62, v63;
	_ =	sdelay $0x3  }
0x147: {  	[tilespmem:$0xC80] =	vst v0  }
0x148: {  	v0 =	vld.idx.msk [tilespmem:v1+s11+$0x0], $0xffff;
	_ =	sdelay $0x4  }
0x149: {  	s29 =	sadd.s32 $0x70, s5;
	s30 =	simm.s32 $0xC20;
	s31 =	simm.s32 $0x3;
	[tilespmem:$0xC90] =	vst v0  }
0x14a: {  	[hbm4b:s29+s2] =	stream.linear.scatter [tilespmem:s30], [sflag:$0x3], $0x80, $0x38;
	[tilespmem:$0xCA0] =	vst v63  }
0x14b: {  	_ =	swait.ge [sflag:s31], $0x80  }
0x14c: {  	[sflag:s31] =	ssyncset.done $0x0  }
0x14d: {  	[sflag:s31] =	ssyncadd.s32 $0xFFFFFF80  }
0x14e: {  	_ =	swait.ge [sflag:s31], $0x80  }
0x14f: {  	[sflag:s31] =	ssyncset.done $0x0  }
0x150: {  	[sflag:s31] =	ssyncadd.s32 $0xFFFFFF80  }
0x151: {  	_ =	swait.ge [sflag:s31], $0x80  }
0x152: {  	[sflag:s31] =	ssyncset.done $0x0  }
0x153: {  	[sflag:s31] =	ssyncadd.s32 $0xFFFFFF80  }
0x154: {  	_ =	swait.ge [sflag:s31], $0x80  }
0x155: {  	[sflag:s31] =	ssyncset.done $0x0  }
0x156: {  	[sflag:s31] =	ssyncadd.s32 $0xFFFFFF80  }
0x157: {  	_ =	swait.ge [sflag:s31], $0x80  }
0x158: {  	[sflag:s31] =	ssyncset.done $0x0  }
0x159: {  	[sflag:s31] =	ssyncadd.s32 $0xFFFFFF80  }
0x15a: {  	_ =	swait.ge [sflag:s31], $0x80  }
0x15b: {  	[sflag:s31] =	ssyncset.done $0x0  }
0x15c: {  	[sflag:s31] =	ssyncadd.s32 $0xFFFFFF80  }
0x15d: {  	_ =	swait.ge [sflag:s31], $0x80  }
0x15e: {  	[sflag:s31] =	ssyncset.done $0x0  }
0x15f: {  	[sflag:s31] =	ssyncadd.s32 $0xFFFFFF80  }
0x160: {  	_ =	swait.ge [sflag:s31], $0x80  }
0x161: {  	[sflag:s31] =	ssyncset.done $0x0  }
0x162: {  	[sflag:s31] =	ssyncadd.s32 $0xFFFFFF80  }
0x163: {  	_ =	sfence.sel $0x180000  }
0x164: {  	[bflag:$0x0] =	sbarrier.arrive $0xFFFF  }
0x165: {  	p0 =	sne.s32 s1, $0x0;
	_ =	strace $0x90000047  }
0x166: {  	s0 =	sadd.s32 @!p0 $0x100000, s0;
	[bflag:$0x2] =	sbarrier.arrive $0xFFFF  }
0x167: {  	[sflag:s0] =	ssyncadd.tile.s32 @!p0 $0x1;
	_ =	shalt  }
.Lfunc_end2:
_tile_overlayer_lowered:
.L_overlay_start_2:
0x168: {  	(tag) =	ssettag $0x2  }
0x169: {  	s0 =	rddreg [dreg:$0x0];
	s2 =	stileid.u32  }
0x16a: {  	s1 =	rddreg [dreg:$0x1];
	p0 =	sne.s32 s2, $0x0  }
0x16b: {  	s3 =	rddreg [dreg:$0x2];
	[bflag:$0x3] =	sbarrier.arrive $0xFFFF;
	s2 =	simm.s32 @!p0 $0x1C04  }
0x16c: {  	[timem:s3], [sflag:s2] =	dma.local @!p0 [hbm:s0], s1  }
0x16d: {  	s0 =	simm.s32 @!p0 $0x4  }
0x16e: {  	_ =	swait.ge @!p0 [sflag:s0], s1  }
0x16f: {  	s1 =	ssub.s32 @!p0 $0x0, s1;
	[sflag:s0] =	ssyncset.done @!p0 $0x0  }
0x170: {  	[sflag:s0] =	ssyncadd.s32 @!p0 s1  }
0x171: {  	[bflag:$0x3] =	sbarrier.arrive $0xFFFF  }
0x172: {  	_ =	shalt  }

</sc_bundles>
